<compile_context>
chip_gen: v7x
topology: tpu7x:2x2x1
jax: 0.10.2.dev20260603
libtpu: 0.0.44.dev20260713+nightly
codegen_flags: <defaults>
</compile_context>

<pallas_src>
import functools

import jax
import jax.numpy as jnp
import numpy as np
from jax import lax
from jax.experimental import pallas as pl
from jax.experimental.pallas import tpu as pltpu
from jax.experimental.pallas import tpu_sc as plsc

_TOKENS = 32768
_D = 512
_KEEP_PROB = 0.9

_BLK = 4096


def _rotl(x, d):
    return ((x << np.uint32(d)) | (x >> np.uint32(32 - d))).astype(np.uint32)


def _threefry2x32(k1, k2, x0, x1):
    rot = [np.uint32(r) for r in (13, 15, 26, 6, 17, 29, 16, 24)]
    r0, r1 = rot[:4], rot[4:]
    ks0, ks1 = np.uint32(k1), np.uint32(k2)
    ks2 = ks0 ^ ks1 ^ np.uint32(0x1BD11BDA)
    x0 = (x0 + ks0).astype(np.uint32)
    x1 = (x1 + ks1).astype(np.uint32)

    def rounds(x0, x1, rots):
        for r in rots:
            x0 = (x0 + x1).astype(np.uint32)
            x1 = _rotl(x1, r) ^ x0
        return x0, x1

    x0, x1 = rounds(x0, x1, r0)
    x0 = (x0 + ks1).astype(np.uint32)
    x1 = (x1 + ks2 + np.uint32(1)).astype(np.uint32)
    x0, x1 = rounds(x0, x1, r1)
    x0 = (x0 + ks2).astype(np.uint32)
    x1 = (x1 + ks0 + np.uint32(2)).astype(np.uint32)
    x0, x1 = rounds(x0, x1, r0)
    x0 = (x0 + ks0).astype(np.uint32)
    x1 = (x1 + ks1 + np.uint32(3)).astype(np.uint32)
    x0, x1 = rounds(x0, x1, r1)
    x0 = (x0 + ks1).astype(np.uint32)
    x1 = (x1 + ks2 + np.uint32(4)).astype(np.uint32)
    x0, x1 = rounds(x0, x1, r0)
    x0 = (x0 + ks2).astype(np.uint32)
    x1 = (x1 + ks0 + np.uint32(5)).astype(np.uint32)
    return x0, x1


def _dropout_mask():
    n, seed = _TOKENS, 42
    if jax.config.jax_threefry_partitionable:
        y0, y1 = _threefry2x32(0, seed, np.zeros(n, np.uint32),
                               np.arange(n, dtype=np.uint32))
        bits = y0 ^ y1
    else:
        cnt = np.arange(n, dtype=np.uint32)
        y0, y1 = _threefry2x32(0, seed, cnt[: n // 2], cnt[n // 2:])
        bits = np.concatenate([y0, y1])
    fb = (bits >> np.uint32(9)) | np.uint32(0x3F800000)
    u = fb.view(np.float32) - np.float32(1.0)
    return u < np.float32(_KEEP_PROB)


def _mask_body(x_ref, m_ref, o_ref):
    x = x_ref[...].reshape(_BLK // 128, 128, _D)
    m = m_ref[...].reshape(_BLK // 128, 128, 1)
    o_ref[...] = (x * m).reshape(_BLK, _D)


def _kernel_tc(flat):
    mask = jnp.asarray(
        _dropout_mask().astype(np.float32).reshape(_TOKENS // 128, 128))
    grid = _TOKENS // _BLK
    return pl.pallas_call(
        _mask_body,
        grid=(grid,),
        in_specs=[
            pl.BlockSpec((_BLK, _D), lambda i: (i, 0)),
            pl.BlockSpec((_BLK // 128, 128), lambda i: (i, 0)),
        ],
        out_specs=pl.BlockSpec((_BLK, _D), lambda i: (i, 0)),
        out_shape=jax.ShapeDtypeStruct((_TOKENS, _D), jnp.float32),
        compiler_params=pltpu.CompilerParams(
            vmem_limit_bytes=128 * 1024 * 1024),
    )(flat, mask)



_NC, _NS = 2, 16
_NW = _NC * _NS
_CK = 32
_CD = 16
_RING = 4


def _pad_split(idx, chunk):
    per_w = -(-len(idx) // (_NW * chunk)) * chunk
    total = per_w * _NW
    pad = np.resize(idx[-1:], total - len(idx)) if total > len(idx) else idx[:0]
    return np.concatenate([idx, pad]).astype(np.int32).reshape(_NW, per_w // chunk, chunk)


def _kernel_sc(flat):
    mask = _dropout_mask()
    kept3 = _pad_split(np.flatnonzero(mask), _CK)
    drop3 = _pad_split(np.flatnonzero(~mask), _CD)
    nch, ndch = kept3.shape[1], drop3.shape[1]

    mesh = plsc.VectorSubcoreMesh(core_axis_name="c", subcore_axis_name="s")

    @functools.partial(
        pl.kernel,
        out_type=jax.ShapeDtypeStruct((_TOKENS, _D), jnp.float32),
        mesh=mesh,
        scratch_types=(
            [pltpu.VMEM((nch, _CK), jnp.int32),
             pltpu.VMEM((ndch, _CD), jnp.int32),
             pltpu.VMEM((_CD, _D), jnp.float32)]
            + [pltpu.VMEM((_CK, _D), jnp.float32) for _ in range(_RING)]
            + [pltpu.SemaphoreType.DMA for _ in range(2 * _RING + 1)]
        ),
    )
    def body(flat_hbm, kidx_hbm, didx_hbm, out_hbm, kidx_v, didx_v, zbuf,
             *bufs_and_sems):
        bufs = bufs_and_sems[:_RING]
        gsem = bufs_and_sems[_RING:2 * _RING]
        ssem = bufs_and_sems[2 * _RING:3 * _RING]
        zsem = bufs_and_sems[3 * _RING]
        wid = lax.axis_index("s") * _NC + lax.axis_index("c")

        pltpu.sync_copy(kidx_hbm.at[wid], kidx_v)
        pltpu.sync_copy(didx_hbm.at[wid], didx_v)

        zero = jnp.zeros((16,), jnp.float32)
        for r in range(_CD):
            for k in range(_D // 16):
                zbuf[r, pl.ds(k * 16, 16)] = zero
        zh = [pltpu.async_copy(zbuf, out_hbm.at[didx_v.at[j]], zsem)
              for j in range(ndch)]

        g = [None] * nch
        s = [None] * nch
        waited = [False] * nch
        for j in range(nch + 1):
            if j < nch:
                b = j % _RING
                if j >= _RING:
                    s[j - _RING].wait()
                    waited[j - _RING] = True
                g[j] = pltpu.async_copy(flat_hbm.at[kidx_v.at[j]], bufs[b], gsem[b])
            if j >= 1:
                i = j - 1
                g[i].wait()
                s[i] = pltpu.async_copy(bufs[i % _RING], out_hbm.at[kidx_v.at[i]],
                                        ssem[i % _RING])
        for i in range(nch):
            if not waited[i]:
                s[i].wait()
        for h in zh:
            h.wait()

    return body(flat, jnp.asarray(kept3), jnp.asarray(drop3))


_RC = 64
_LRING = 3


def _pad_split_by_range(idx, chunk, rows_w):
    per_w = [idx[(idx >= w * rows_w) & (idx < (w + 1) * rows_w)] for w in range(_NW)]
    assert all(len(p) > 0 for p in per_w)
    ndch = max(-(-len(p) // chunk) for p in per_w)
    out = np.empty((_NW, ndch * chunk), np.int32)
    for w, p in enumerate(per_w):
        out[w, :len(p)] = p
        out[w, len(p):] = p[-1]
    return out.reshape(_NW, ndch, chunk)


def _kernel_sc_linear(flat):
    mask = _dropout_mask()
    rows_w = _TOKENS // _NW
    drop3 = _pad_split_by_range(np.flatnonzero(~mask), _CD, rows_w)
    ndch = drop3.shape[1]
    nch = rows_w // _RC

    mesh = plsc.VectorSubcoreMesh(core_axis_name="c", subcore_axis_name="s")

    @functools.partial(
        pl.kernel,
        out_type=jax.ShapeDtypeStruct((_TOKENS, _D), jnp.float32),
        mesh=mesh,
        scratch_types=(
            [pltpu.VMEM((ndch, _CD), jnp.int32),
             pltpu.VMEM((_CD, _D), jnp.float32)]
            + [pltpu.VMEM((_RC, _D), jnp.float32) for _ in range(_LRING)]
            + [pltpu.SemaphoreType.DMA for _ in range(2 * _LRING + 1)]
        ),
    )
    def body(flat_hbm, didx_hbm, out_hbm, didx_v, zbuf, *bufs_and_sems):
        bufs = bufs_and_sems[:_LRING]
        gsem = bufs_and_sems[_LRING:2 * _LRING]
        ssem = bufs_and_sems[2 * _LRING:3 * _LRING]
        zsem = bufs_and_sems[3 * _LRING]
        wid = lax.axis_index("s") * _NC + lax.axis_index("c")
        base = wid * rows_w

        pltpu.sync_copy(didx_hbm.at[wid], didx_v)

        zero = jnp.zeros((16,), jnp.float32)
        for r in range(_CD):
            for k in range(_D // 16):
                zbuf[r, pl.ds(k * 16, 16)] = zero

        g = [None] * nch
        s = [None] * nch
        waited = [False] * nch
        for j in range(nch + 1):
            if j < nch:
                b = j % _LRING
                if j >= _LRING:
                    s[j - _LRING].wait()
                    waited[j - _LRING] = True
                g[j] = pltpu.async_copy(
                    flat_hbm.at[pl.ds(base + j * _RC, _RC)], bufs[b], gsem[b])
            if j >= 1:
                i = j - 1
                g[i].wait()
                s[i] = pltpu.async_copy(
                    bufs[i % _LRING], out_hbm.at[pl.ds(base + i * _RC, _RC)],
                    ssem[i % _LRING])
        for i in range(nch):
            if not waited[i]:
                s[i].wait()
        zh = [pltpu.async_copy(zbuf, out_hbm.at[didx_v.at[j]], zsem)
              for j in range(ndch)]
        for h in zh:
            h.wait()

    return body(flat, jnp.asarray(drop3))



_MCHUNK = 4096
_MIN_DEPTH = 3
_MOUT_DEPTH = 2


def _kernel_tc_manual(flat):
    mask = jnp.asarray(
        _dropout_mask().astype(np.float32).reshape(_TOKENS // 128, 128))
    n = _TOKENS // _MCHUNK
    mrows = _MCHUNK // 128

    def body(x_hbm, m_ref, o_hbm, ibufs, obufs, isems, osems):
        def copy_in(j):
            return pltpu.make_async_copy(
                x_hbm.at[pl.ds(j * _MCHUNK, _MCHUNK)],
                ibufs.at[j % _MIN_DEPTH], isems.at[j % _MIN_DEPTH])

        def copy_out(j):
            return pltpu.make_async_copy(
                obufs.at[j % _MOUT_DEPTH],
                o_hbm.at[pl.ds(j * _MCHUNK, _MCHUNK)], osems.at[j % _MOUT_DEPTH])

        for k in range(min(_MIN_DEPTH, n)):
            copy_in(k).start()
        for j in range(n):
            copy_in(j).wait()
            if j >= _MOUT_DEPTH:
                copy_out(j - _MOUT_DEPTH).wait()
            x = ibufs[j % _MIN_DEPTH].reshape(mrows, 128, _D)
            m = m_ref[pl.ds(j * mrows, mrows), :].reshape(mrows, 128, 1)
            obufs[j % _MOUT_DEPTH] = (x * m).reshape(_MCHUNK, _D)
            copy_out(j).start()
            nk = j + _MIN_DEPTH
            if nk < n:
                copy_in(nk).start()
        for j in range(max(0, n - _MOUT_DEPTH), n):
            copy_out(j).wait()

    return pl.pallas_call(
        body,
        in_specs=[
            pl.BlockSpec(memory_space=pl.ANY),
            pl.BlockSpec(memory_space=pltpu.VMEM),
        ],
        out_specs=pl.BlockSpec(memory_space=pl.ANY),
        out_shape=jax.ShapeDtypeStruct((_TOKENS, _D), jnp.float32),
        scratch_shapes=[
            pltpu.VMEM((_MIN_DEPTH, _MCHUNK, _D), jnp.float32),
            pltpu.VMEM((_MOUT_DEPTH, _MCHUNK, _D), jnp.float32),
            pltpu.SemaphoreType.DMA((_MIN_DEPTH,)),
            pltpu.SemaphoreType.DMA((_MOUT_DEPTH,)),
        ],
        compiler_params=pltpu.CompilerParams(
            vmem_limit_bytes=60 * 1024 * 1024),
    )(flat, mask)



_SC_ROWS = 4096


def _sc_prefix(flat, s_rows):
    mask = _dropout_mask()
    rows_w = s_rows // _NW
    rc = min(_RC, rows_w)
    nch = rows_w // rc
    drop = np.flatnonzero(~mask)
    per_w = [drop[(drop >= w * rows_w) & (drop < (w + 1) * rows_w)]
             for w in range(_NW)]
    ndch = max(1, max(-(-len(p) // _CD) for p in per_w))
    drop3 = np.full((_NW, ndch * _CD), drop[0], np.int32)
    for w, p in enumerate(per_w):
        drop3[w, :len(p)] = p
        if len(p):
            drop3[w, len(p):] = p[-1]
    drop3 = drop3.reshape(_NW, ndch, _CD)

    mesh = plsc.VectorSubcoreMesh(core_axis_name="c", subcore_axis_name="s")

    @functools.partial(
        pl.kernel,
        out_type=jax.ShapeDtypeStruct((_TOKENS, _D), jnp.float32),
        mesh=mesh,
        scratch_types=(
            [pltpu.VMEM((ndch, _CD), jnp.int32),
             pltpu.VMEM((_CD, _D), jnp.float32)]
            + [pltpu.VMEM((rc, _D), jnp.float32) for _ in range(_LRING)]
            + [pltpu.SemaphoreType.DMA for _ in range(2 * _LRING + 1)]
        ),
    )
    def body(flat_hbm, didx_hbm, zeros_hbm, out_hbm, didx_v, zbuf,
             *bufs_and_sems):
        bufs = bufs_and_sems[:_LRING]
        gsem = bufs_and_sems[_LRING:2 * _LRING]
        ssem = bufs_and_sems[2 * _LRING:3 * _LRING]
        zsem = bufs_and_sems[3 * _LRING]
        wid = lax.axis_index("s") * _NC + lax.axis_index("c")
        base = wid * rows_w

        pltpu.sync_copy(didx_hbm.at[wid], didx_v)
        pltpu.sync_copy(zeros_hbm, zbuf)

        g = [None] * nch
        s = [None] * nch
        waited = [False] * nch
        for j in range(nch + 1):
            if j < nch:
                b = j % _LRING
                if j >= _LRING:
                    s[j - _LRING].wait()
                    waited[j - _LRING] = True
                g[j] = pltpu.async_copy(
                    flat_hbm.at[pl.ds(base + j * rc, rc)], bufs[b], gsem[b])
            if j >= 1:
                i = j - 1
                g[i].wait()
                s[i] = pltpu.async_copy(
                    bufs[i % _LRING], out_hbm.at[pl.ds(base + i * rc, rc)],
                    ssem[i % _LRING])
        for i in range(nch):
            if not waited[i]:
                s[i].wait()
        zh = [pltpu.async_copy(zbuf, out_hbm.at[didx_v.at[j]], zsem)
              for j in range(ndch)]
        for h in zh:
            h.wait()

    return body(flat, jnp.asarray(drop3),
                jnp.zeros((_CD, _D), jnp.float32))


def _tc_suffix(flat, sc_full, s_rows):
    mask = jnp.asarray(
        _dropout_mask().astype(np.float32).reshape(_TOKENS // 128, 128))
    n = (_TOKENS - s_rows) // _MCHUNK
    mrows = _MCHUNK // 128
    mbase = s_rows // 128

    def body(x_hbm, m_ref, sc_ref, o_hbm, ibufs, obufs, isems, osems):
        del sc_ref

        def copy_in(j):
            return pltpu.make_async_copy(
                x_hbm.at[pl.ds(s_rows + j * _MCHUNK, _MCHUNK)],
                ibufs.at[j % _MIN_DEPTH], isems.at[j % _MIN_DEPTH])

        def copy_out(j):
            return pltpu.make_async_copy(
                obufs.at[j % _MOUT_DEPTH],
                o_hbm.at[pl.ds(s_rows + j * _MCHUNK, _MCHUNK)],
                osems.at[j % _MOUT_DEPTH])

        for k in range(min(_MIN_DEPTH, n)):
            copy_in(k).start()
        for j in range(n):
            copy_in(j).wait()
            if j >= _MOUT_DEPTH:
                copy_out(j - _MOUT_DEPTH).wait()
            x = ibufs[j % _MIN_DEPTH].reshape(mrows, 128, _D)
            m = m_ref[pl.ds(mbase + j * mrows, mrows), :].reshape(mrows, 128, 1)
            obufs[j % _MOUT_DEPTH] = (x * m).reshape(_MCHUNK, _D)
            copy_out(j).start()
            nk = j + _MIN_DEPTH
            if nk < n:
                copy_in(nk).start()
        for j in range(max(0, n - _MOUT_DEPTH), n):
            copy_out(j).wait()

    return pl.pallas_call(
        body,
        in_specs=[
            pl.BlockSpec(memory_space=pl.ANY),
            pl.BlockSpec(memory_space=pltpu.VMEM),
            pl.BlockSpec(memory_space=pl.ANY),
        ],
        out_specs=pl.BlockSpec(memory_space=pl.ANY),
        out_shape=jax.ShapeDtypeStruct((_TOKENS, _D), jnp.float32),
        input_output_aliases={2: 0},
        scratch_shapes=[
            pltpu.VMEM((_MIN_DEPTH, _MCHUNK, _D), jnp.float32),
            pltpu.VMEM((_MOUT_DEPTH, _MCHUNK, _D), jnp.float32),
            pltpu.SemaphoreType.DMA((_MIN_DEPTH,)),
            pltpu.SemaphoreType.DMA((_MOUT_DEPTH,)),
        ],
        compiler_params=pltpu.CompilerParams(
            vmem_limit_bytes=60 * 1024 * 1024),
    )(flat, mask, sc_full)


def _kernel_hybrid(flat):
    sc_full = _sc_prefix(flat, _SC_ROWS)
    return _tc_suffix(flat, sc_full, _SC_ROWS)


def kernel(flat, row_starts):
    del row_starts
    return _kernel_hybrid(flat)

# --- scband reference (transcript-rebuilt; emitter-appended) ---
"""Pipeline reference for scband-ragged-embedding-dropout-1898375544910 (READ-ONLY COPY).

The authoritative reference and input builder live on the scoring server;
editing this copy changes nothing except your own understanding.
"""

import jax, jax.numpy as jnp
import numpy as np

ENCODER_DP_RATE = 0.1
TOTAL_TOKENS = 32768
D = 512
BATCH = 16

def setup_inputs(seed: int = 0) -> dict:
    key = jax.random.key(seed)
    k1, k2 = jax.random.split(key)
    flat = jax.random.normal(k1, (TOTAL_TOKENS, D), dtype=jnp.float32)
    row_starts = jnp.sort(jax.random.randint(k2, (BATCH,), 0, TOTAL_TOKENS, dtype=jnp.int32))
    # ensure first row start is 0, as in a valid RaggedTensor
    row_starts = row_starts.at[0].set(0)
    return {"flat": flat, "row_starts": row_starts}

def reference(flat, row_starts):
    # Faithful translation of RaggedEmbeddingDropout.call in training mode.
    # tf.nn.dropout keeps each element with prob (1 - rate) and scales by 1/(1-rate);
    # the module then casts to bool and back to float, so the effective per-token
    # mask is a {0,1} bernoulli(keep_prob) mask (no rescaling survives).
    keep_prob = 1.0 - ENCODER_DP_RATE
    mask_key = jax.random.key(42)
    dp_mask = jax.random.bernoulli(mask_key, p=keep_prob, shape=(flat.shape[0],)).astype(jnp.float32)
    dropped_flat = flat * dp_mask[:, None]
    # The ragged output shares row_starts with the input; its flat_values are dropped_flat.
    return dropped_flat

if __name__ == "__main__":
    import jax
    _d = setup_inputs()
    print(jax.jit(kernel)(*tuple(_d.values())))

</pallas_src>

<mosaic_0001>
#map = affine_map<(d0, d1) -> (0, 0)>
#map1 = affine_map<(d0, d1) -> (0, 0, 0)>
module attributes {stable_mosaic.version = 14 : i64} {
  func.func @body(%arg0: i32, %arg1: i32, %arg2: memref<32768x512xf32, #tpu.memory_space<hbm>>, %arg3: memref<32x2x16xi32, #tpu.memory_space<hbm>>, %arg4: memref<16x512xf32, #tpu.memory_space<hbm>>, %arg5: memref<32768x512xf32, #tpu.memory_space<hbm>>, %arg6: memref<2x16xi32, #tpu.memory_space<vmem>>, %arg7: memref<16x512xf32, #tpu.memory_space<vmem>>, %arg8: memref<64x512xf32, #tpu.memory_space<vmem>>, %arg9: memref<64x512xf32, #tpu.memory_space<vmem>>, %arg10: memref<64x512xf32, #tpu.memory_space<vmem>>, %arg11: memref<!tpu.dma_semaphore, #tpu.memory_space<semaphore_mem>>, %arg12: memref<!tpu.dma_semaphore, #tpu.memory_space<semaphore_mem>>, %arg13: memref<!tpu.dma_semaphore, #tpu.memory_space<semaphore_mem>>, %arg14: memref<!tpu.dma_semaphore, #tpu.memory_space<semaphore_mem>>, %arg15: memref<!tpu.dma_semaphore, #tpu.memory_space<semaphore_mem>>, %arg16: memref<!tpu.dma_semaphore, #tpu.memory_space<semaphore_mem>>, %arg17: memref<!tpu.dma_semaphore, #tpu.memory_space<semaphore_mem>>) attributes {dimension_semantics = [#tpu.dimension_semantics<core_parallel>, #tpu.dimension_semantics<subcore_parallel>], iteration_bounds = array<i64: 2, 16>, scalar_prefetch = 0 : i64, scratch_operands = 12 : i64, tpu.core_type = #tpu.core_type<sc_vector_subcore>, window_params = [{transform_indices = #map}, {transform_indices = #map1}, {transform_indices = #map}, {transform_indices = #map}]} {
    %mul3A = arith.constant 2 : i32
    %mul3A_0 = arith.muli %arg1, %mul3A : i32
    %add3A = arith.addi %mul3A_0, %arg0 : i32
    %mul3A_1 = arith.constant 128 : i32
    %mul3A_2 = arith.muli %add3A, %mul3A_1 : i32
    "tpu.region"() ({
      %run_scoped3A = tpu.sem_alloc : memref<!tpu.dma_semaphore, #tpu.memory_space<semaphore_mem>>
      %dma_start3A_69 = arith.constant 0 : i32
      %dma_start3A_70 = arith.constant 0 : i32
      %dma_start3A_71 = tpu.memref_slice %arg3[%add3A, %dma_start3A_69, %dma_start3A_70] : memref<32x2x16xi32, #tpu.memory_space<hbm>> -> memref<1x2x16xi32, #tpu.memory_space<hbm>>
      %dma_start3A_72 = tpu.memref_squeeze %dma_start3A_71 : memref<1x2x16xi32, #tpu.memory_space<hbm>> -> memref<2x16xi32, #tpu.memory_space<hbm>>
      %dma_start3A_73 = arith.constant 0 : i32
      %dma_start3A_74 = arith.constant 0 : i32
      %dma_start3A_75 = tpu.memref_slice %arg3[%add3A, %dma_start3A_73, %dma_start3A_74] : memref<32x2x16xi32, #tpu.memory_space<hbm>> -> memref<1x2x16xi32, #tpu.memory_space<hbm>>
      %dma_start3A_76 = tpu.memref_squeeze %dma_start3A_75 : memref<1x2x16xi32, #tpu.memory_space<hbm>> -> memref<2x16xi32, #tpu.memory_space<hbm>>
      tpu.enqueue_dma source(%dma_start3A_76 : memref<2x16xi32, #tpu.memory_space<hbm>>) target(%arg6 : memref<2x16xi32, #tpu.memory_space<vmem>>) target_semaphore(%run_scoped3A : memref<!tpu.dma_semaphore, #tpu.memory_space<semaphore_mem>>)
      %dma_wait3A_77 = arith.constant 0 : i32
      %dma_wait3A_78 = arith.constant 0 : i32
      %dma_wait3A_79 = tpu.memref_slice %arg3[%add3A, %dma_wait3A_77, %dma_wait3A_78] : memref<32x2x16xi32, #tpu.memory_space<hbm>> -> memref<1x2x16xi32, #tpu.memory_space<hbm>>
      %dma_wait3A_80 = tpu.memref_squeeze %dma_wait3A_79 : memref<1x2x16xi32, #tpu.memory_space<hbm>> -> memref<2x16xi32, #tpu.memory_space<hbm>>
      %dma_wait3A_81 = arith.constant 0 : i32
      %dma_wait3A_82 = arith.constant 0 : i32
      %dma_wait3A_83 = tpu.memref_slice %arg3[%add3A, %dma_wait3A_81, %dma_wait3A_82] : memref<32x2x16xi32, #tpu.memory_space<hbm>> -> memref<1x2x16xi32, #tpu.memory_space<hbm>>
      %dma_wait3A_84 = tpu.memref_squeeze %dma_wait3A_83 : memref<1x2x16xi32, #tpu.memory_space<hbm>> -> memref<2x16xi32, #tpu.memory_space<hbm>>
      tpu.wait_dma2 semaphore(%run_scoped3A : memref<!tpu.dma_semaphore, #tpu.memory_space<semaphore_mem>>) src(%dma_wait3A_84 : memref<2x16xi32, #tpu.memory_space<hbm>>) dst(%arg6 : memref<2x16xi32, #tpu.memory_space<vmem>>)
      tpu.yield
    }) : () -> ()
    "tpu.region"() ({
      %run_scoped3A = tpu.sem_alloc : memref<!tpu.dma_semaphore, #tpu.memory_space<semaphore_mem>>
      tpu.enqueue_dma source(%arg4 : memref<16x512xf32, #tpu.memory_space<hbm>>) target(%arg7 : memref<16x512xf32, #tpu.memory_space<vmem>>) target_semaphore(%run_scoped3A : memref<!tpu.dma_semaphore, #tpu.memory_space<semaphore_mem>>)
      tpu.wait_dma2 semaphore(%run_scoped3A : memref<!tpu.dma_semaphore, #tpu.memory_space<semaphore_mem>>) src(%arg4 : memref<16x512xf32, #tpu.memory_space<hbm>>) dst(%arg7 : memref<16x512xf32, #tpu.memory_space<vmem>>)
      tpu.yield
    }) : () -> ()
    %add3A_3 = arith.constant 0 : i32
    %add3A_4 = arith.addi %mul3A_2, %add3A_3 : i32
    %dma_start3A = arith.constant 0 : i32
    %dma_start3A_5 = tpu.memref_slice %arg2[%add3A_4, %dma_start3A] : memref<32768x512xf32, #tpu.memory_space<hbm>> -> memref<64x512xf32, #tpu.memory_space<hbm>>
    %dma_start3A_6 = arith.constant 0 : i32
    %dma_start3A_7 = tpu.memref_slice %arg2[%add3A_4, %dma_start3A_6] : memref<32768x512xf32, #tpu.memory_space<hbm>> -> memref<64x512xf32, #tpu.memory_space<hbm>>
    tpu.enqueue_dma source(%dma_start3A_7 : memref<64x512xf32, #tpu.memory_space<hbm>>) target(%arg8 : memref<64x512xf32, #tpu.memory_space<vmem>>) target_semaphore(%arg11 : memref<!tpu.dma_semaphore, #tpu.memory_space<semaphore_mem>>)
    %add3A_8 = arith.constant 64 : i32
    %add3A_9 = arith.addi %mul3A_2, %add3A_8 : i32
    %dma_start3A_10 = arith.constant 0 : i32
    %dma_start3A_11 = tpu.memref_slice %arg2[%add3A_9, %dma_start3A_10] : memref<32768x512xf32, #tpu.memory_space<hbm>> -> memref<64x512xf32, #tpu.memory_space<hbm>>
    %dma_start3A_12 = arith.constant 0 : i32
    %dma_start3A_13 = tpu.memref_slice %arg2[%add3A_9, %dma_start3A_12] : memref<32768x512xf32, #tpu.memory_space<hbm>> -> memref<64x512xf32, #tpu.memory_space<hbm>>
    tpu.enqueue_dma source(%dma_start3A_13 : memref<64x512xf32, #tpu.memory_space<hbm>>) target(%arg9 : memref<64x512xf32, #tpu.memory_space<vmem>>) target_semaphore(%arg12 : memref<!tpu.dma_semaphore, #tpu.memory_space<semaphore_mem>>)
    %dma_wait3A = arith.constant 0 : i32
    %dma_wait3A_14 = tpu.memref_slice %arg2[%add3A_4, %dma_wait3A] : memref<32768x512xf32, #tpu.memory_space<hbm>> -> memref<64x512xf32, #tpu.memory_space<hbm>>
    %dma_wait3A_15 = arith.constant 0 : i32
    %dma_wait3A_16 = tpu.memref_slice %arg2[%add3A_4, %dma_wait3A_15] : memref<32768x512xf32, #tpu.memory_space<hbm>> -> memref<64x512xf32, #tpu.memory_space<hbm>>
    tpu.wait_dma2 semaphore(%arg11 : memref<!tpu.dma_semaphore, #tpu.memory_space<semaphore_mem>>) src(%dma_wait3A_16 : memref<64x512xf32, #tpu.memory_space<hbm>>) dst(%arg8 : memref<64x512xf32, #tpu.memory_space<vmem>>)
    %add3A_17 = arith.constant 0 : i32
    %add3A_18 = arith.addi %mul3A_2, %add3A_17 : i32
    %dma_start3A_19 = arith.constant 0 : i32
    %dma_start3A_20 = tpu.memref_slice %arg5[%add3A_18, %dma_start3A_19] : memref<32768x512xf32, #tpu.memory_space<hbm>> -> memref<64x512xf32, #tpu.memory_space<hbm>>
    %dma_start3A_21 = arith.constant 0 : i32
    %dma_start3A_22 = tpu.memref_slice %arg5[%add3A_18, %dma_start3A_21] : memref<32768x512xf32, #tpu.memory_space<hbm>> -> memref<64x512xf32, #tpu.memory_space<hbm>>
    tpu.enqueue_dma source(%arg8 : memref<64x512xf32, #tpu.memory_space<vmem>>) target(%dma_start3A_22 : memref<64x512xf32, #tpu.memory_space<hbm>>) target_semaphore(%arg14 : memref<!tpu.dma_semaphore, #tpu.memory_space<semaphore_mem>>)
    %dma_wait3A_23 = arith.constant 0 : i32
    %dma_wait3A_24 = tpu.memref_slice %arg2[%add3A_9, %dma_wait3A_23] : memref<32768x512xf32, #tpu.memory_space<hbm>> -> memref<64x512xf32, #tpu.memory_space<hbm>>
    %dma_wait3A_25 = arith.constant 0 : i32
    %dma_wait3A_26 = tpu.memref_slice %arg2[%add3A_9, %dma_wait3A_25] : memref<32768x512xf32, #tpu.memory_space<hbm>> -> memref<64x512xf32, #tpu.memory_space<hbm>>
    tpu.wait_dma2 semaphore(%arg12 : memref<!tpu.dma_semaphore, #tpu.memory_space<semaphore_mem>>) src(%dma_wait3A_26 : memref<64x512xf32, #tpu.memory_space<hbm>>) dst(%arg9 : memref<64x512xf32, #tpu.memory_space<vmem>>)
    %add3A_27 = arith.constant 64 : i32
    %add3A_28 = arith.addi %mul3A_2, %add3A_27 : i32
    %dma_start3A_29 = arith.constant 0 : i32
    %dma_start3A_30 = tpu.memref_slice %arg5[%add3A_28, %dma_start3A_29] : memref<32768x512xf32, #tpu.memory_space<hbm>> -> memref<64x512xf32, #tpu.memory_space<hbm>>
    %dma_start3A_31 = arith.constant 0 : i32
    %dma_start3A_32 = tpu.memref_slice %arg5[%add3A_28, %dma_start3A_31] : memref<32768x512xf32, #tpu.memory_space<hbm>> -> memref<64x512xf32, #tpu.memory_space<hbm>>
    tpu.enqueue_dma source(%arg9 : memref<64x512xf32, #tpu.memory_space<vmem>>) target(%dma_start3A_32 : memref<64x512xf32, #tpu.memory_space<hbm>>) target_semaphore(%arg15 : memref<!tpu.dma_semaphore, #tpu.memory_space<semaphore_mem>>)
    %dma_wait3A_33 = arith.constant 0 : i32
    %dma_wait3A_34 = tpu.memref_slice %arg5[%add3A_18, %dma_wait3A_33] : memref<32768x512xf32, #tpu.memory_space<hbm>> -> memref<64x512xf32, #tpu.memory_space<hbm>>
    %dma_wait3A_35 = arith.constant 0 : i32
    %dma_wait3A_36 = tpu.memref_slice %arg5[%add3A_18, %dma_wait3A_35] : memref<32768x512xf32, #tpu.memory_space<hbm>> -> memref<64x512xf32, #tpu.memory_space<hbm>>
    tpu.wait_dma2 semaphore(%arg14 : memref<!tpu.dma_semaphore, #tpu.memory_space<semaphore_mem>>) src(%arg8 : memref<64x512xf32, #tpu.memory_space<vmem>>) dst(%dma_wait3A_36 : memref<64x512xf32, #tpu.memory_space<hbm>>)
    %dma_wait3A_37 = arith.constant 0 : i32
    %dma_wait3A_38 = tpu.memref_slice %arg5[%add3A_28, %dma_wait3A_37] : memref<32768x512xf32, #tpu.memory_space<hbm>> -> memref<64x512xf32, #tpu.memory_space<hbm>>
    %dma_wait3A_39 = arith.constant 0 : i32
    %dma_wait3A_40 = tpu.memref_slice %arg5[%add3A_28, %dma_wait3A_39] : memref<32768x512xf32, #tpu.memory_space<hbm>> -> memref<64x512xf32, #tpu.memory_space<hbm>>
    tpu.wait_dma2 semaphore(%arg15 : memref<!tpu.dma_semaphore, #tpu.memory_space<semaphore_mem>>) src(%arg9 : memref<64x512xf32, #tpu.memory_space<vmem>>) dst(%dma_wait3A_40 : memref<64x512xf32, #tpu.memory_space<hbm>>)
    %dma_start3A_41 = arith.constant 0 : i32
    %dma_start3A_42 = arith.constant 0 : i32
    %dma_start3A_43 = tpu.memref_slice %arg6[%dma_start3A_41, %dma_start3A_42] : memref<2x16xi32, #tpu.memory_space<vmem>> -> memref<1x16xi32, #tpu.memory_space<vmem>>
    %dma_start3A_44 = tpu.memref_squeeze %dma_start3A_43 : memref<1x16xi32, #tpu.memory_space<vmem>> -> memref<16xi32, #tpu.memory_space<vmem>>
    %dma_start3A_45 = arith.constant 0 : i32
    %dma_start3A_46 = arith.constant 0 : i32
    %dma_start3A_47 = tpu.memref_slice %arg5[%dma_start3A_45, %dma_start3A_46] : memref<32768x512xf32, #tpu.memory_space<hbm>> -> memref<32768x512xf32, #tpu.memory_space<hbm>>
    tpu.enqueue_indirect_dma source(%arg7 : memref<16x512xf32, #tpu.memory_space<vmem>>) target(%dma_start3A_47 : memref<32768x512xf32, #tpu.memory_space<hbm>>) offsets(%dma_start3A_44 : memref<16xi32, #tpu.memory_space<vmem>>) semaphore(%arg17 : memref<!tpu.dma_semaphore, #tpu.memory_space<semaphore_mem>>)
    %dma_start3A_48 = arith.constant 1 : i32
    %dma_start3A_49 = arith.constant 0 : i32
    %dma_start3A_50 = tpu.memref_slice %arg6[%dma_start3A_48, %dma_start3A_49] : memref<2x16xi32, #tpu.memory_space<vmem>> -> memref<1x16xi32, #tpu.memory_space<vmem>>
    %dma_start3A_51 = tpu.memref_squeeze %dma_start3A_50 : memref<1x16xi32, #tpu.memory_space<vmem>> -> memref<16xi32, #tpu.memory_space<vmem>>
    %dma_start3A_52 = arith.constant 0 : i32
    %dma_start3A_53 = arith.constant 0 : i32
    %dma_start3A_54 = tpu.memref_slice %arg5[%dma_start3A_52, %dma_start3A_53] : memref<32768x512xf32, #tpu.memory_space<hbm>> -> memref<32768x512xf32, #tpu.memory_space<hbm>>
    tpu.enqueue_indirect_dma source(%arg7 : memref<16x512xf32, #tpu.memory_space<vmem>>) target(%dma_start3A_54 : memref<32768x512xf32, #tpu.memory_space<hbm>>) offsets(%dma_start3A_51 : memref<16xi32, #tpu.memory_space<vmem>>) semaphore(%arg17 : memref<!tpu.dma_semaphore, #tpu.memory_space<semaphore_mem>>)
    %dma_wait3A_55 = arith.constant 0 : i32
    %dma_wait3A_56 = arith.constant 0 : i32
    %dma_wait3A_57 = tpu.memref_slice %arg6[%dma_wait3A_55, %dma_wait3A_56] : memref<2x16xi32, #tpu.memory_space<vmem>> -> memref<1x16xi32, #tpu.memory_space<vmem>>
    %dma_wait3A_58 = tpu.memref_squeeze %dma_wait3A_57 : memref<1x16xi32, #tpu.memory_space<vmem>> -> memref<16xi32, #tpu.memory_space<vmem>>
    %dma_wait3A_59 = arith.constant 0 : i32
    %dma_wait3A_60 = arith.constant 0 : i32
    %dma_wait3A_61 = tpu.memref_slice %arg5[%dma_wait3A_59, %dma_wait3A_60] : memref<32768x512xf32, #tpu.memory_space<hbm>> -> memref<32768x512xf32, #tpu.memory_space<hbm>>
    tpu.wait_indirect_dma semaphore(%arg17 : memref<!tpu.dma_semaphore, #tpu.memory_space<semaphore_mem>>) src(%arg7 : memref<16x512xf32, #tpu.memory_space<vmem>>) dst(%dma_wait3A_61 : memref<32768x512xf32, #tpu.memory_space<hbm>>)
    %dma_wait3A_62 = arith.constant 1 : i32
    %dma_wait3A_63 = arith.constant 0 : i32
    %dma_wait3A_64 = tpu.memref_slice %arg6[%dma_wait3A_62, %dma_wait3A_63] : memref<2x16xi32, #tpu.memory_space<vmem>> -> memref<1x16xi32, #tpu.memory_space<vmem>>
    %dma_wait3A_65 = tpu.memref_squeeze %dma_wait3A_64 : memref<1x16xi32, #tpu.memory_space<vmem>> -> memref<16xi32, #tpu.memory_space<vmem>>
    %dma_wait3A_66 = arith.constant 0 : i32
    %dma_wait3A_67 = arith.constant 0 : i32
    %dma_wait3A_68 = tpu.memref_slice %arg5[%dma_wait3A_66, %dma_wait3A_67] : memref<32768x512xf32, #tpu.memory_space<hbm>> -> memref<32768x512xf32, #tpu.memory_space<hbm>>
    tpu.wait_indirect_dma semaphore(%arg17 : memref<!tpu.dma_semaphore, #tpu.memory_space<semaphore_mem>>) src(%arg7 : memref<16x512xf32, #tpu.memory_space<vmem>>) dst(%dma_wait3A_68 : memref<32768x512xf32, #tpu.memory_space<hbm>>)
    return
  }
}

module attributes {stable_mosaic.version = 14 : i64} {
  func.func @body(%arg0: memref<32768x512xf32, #tpu.memory_space<any>>, %arg1: memref<256x128xf32, #tpu.memory_space<vmem>>, %arg2: memref<32768x512xf32, #tpu.memory_space<any>>, %arg3: memref<32768x512xf32, #tpu.memory_space<any>>, %arg4: memref<3x4096x512xf32, #tpu.memory_space<vmem>>, %arg5: memref<2x4096x512xf32, #tpu.memory_space<vmem>>, %arg6: memref<3x!tpu.dma_semaphore, #tpu.memory_space<semaphore_mem>>, %arg7: memref<2x!tpu.dma_semaphore, #tpu.memory_space<semaphore_mem>>) attributes {dimension_semantics = [], scalar_prefetch = 0 : i64, scratch_operands = 4 : i64, tpu.core_type = #tpu.core_type<tc>} {
    %dma_start3A = arith.constant 0 : i32
    %dma_start3A_0 = arith.constant 0 : i32
    %dma_start3A_1 = tpu.memref_slice %arg6[%dma_start3A_0] : memref<3x!tpu.dma_semaphore, #tpu.memory_space<semaphore_mem>> -> memref<1x!tpu.dma_semaphore, #tpu.memory_space<semaphore_mem>>
    %dma_start3A_2 = tpu.memref_squeeze %dma_start3A_1 : memref<1x!tpu.dma_semaphore, #tpu.memory_space<semaphore_mem>> -> memref<!tpu.dma_semaphore, #tpu.memory_space<semaphore_mem>>
    %dma_start3A_3 = arith.constant 0 : i32
    %dma_start3A_4 = arith.constant 0 : i32
    %dma_start3A_5 = tpu.memref_slice %arg4[%dma_start3A, %dma_start3A_3, %dma_start3A_4] : memref<3x4096x512xf32, #tpu.memory_space<vmem>> -> memref<1x4096x512xf32, #tpu.memory_space<vmem>>
    %dma_start3A_6 = tpu.memref_squeeze %dma_start3A_5 : memref<1x4096x512xf32, #tpu.memory_space<vmem>> -> memref<4096x512xf32, #tpu.memory_space<vmem>>
    %dma_start3A_7 = arith.constant 4096 : i32
    %dma_start3A_8 = arith.constant 0 : i32
    %dma_start3A_9 = tpu.memref_slice %arg0[%dma_start3A_7, %dma_start3A_8] : memref<32768x512xf32, #tpu.memory_space<any>> -> memref<4096x512xf32, #tpu.memory_space<any>>
    tpu.enqueue_dma source(%dma_start3A_9 : memref<4096x512xf32, #tpu.memory_space<any>>) target(%dma_start3A_6 : memref<4096x512xf32, #tpu.memory_space<vmem>>) target_semaphore(%dma_start3A_2 : memref<!tpu.dma_semaphore, #tpu.memory_space<semaphore_mem>>)
    %dma_start3A_10 = arith.constant 1 : i32
    %dma_start3A_11 = arith.constant 1 : i32
    %dma_start3A_12 = tpu.memref_slice %arg6[%dma_start3A_11] : memref<3x!tpu.dma_semaphore, #tpu.memory_space<semaphore_mem>> -> memref<1x!tpu.dma_semaphore, #tpu.memory_space<semaphore_mem>>
    %dma_start3A_13 = tpu.memref_squeeze %dma_start3A_12 : memref<1x!tpu.dma_semaphore, #tpu.memory_space<semaphore_mem>> -> memref<!tpu.dma_semaphore, #tpu.memory_space<semaphore_mem>>
    %dma_start3A_14 = arith.constant 0 : i32
    %dma_start3A_15 = arith.constant 0 : i32
    %dma_start3A_16 = tpu.memref_slice %arg4[%dma_start3A_10, %dma_start3A_14, %dma_start3A_15] : memref<3x4096x512xf32, #tpu.memory_space<vmem>> -> memref<1x4096x512xf32, #tpu.memory_space<vmem>>
    %dma_start3A_17 = tpu.memref_squeeze %dma_start3A_16 : memref<1x4096x512xf32, #tpu.memory_space<vmem>> -> memref<4096x512xf32, #tpu.memory_space<vmem>>
    %dma_start3A_18 = arith.constant 8192 : i32
    %dma_start3A_19 = arith.constant 0 : i32
    %dma_start3A_20 = tpu.memref_slice %arg0[%dma_start3A_18, %dma_start3A_19] : memref<32768x512xf32, #tpu.memory_space<any>> -> memref<4096x512xf32, #tpu.memory_space<any>>
    tpu.enqueue_dma source(%dma_start3A_20 : memref<4096x512xf32, #tpu.memory_space<any>>) target(%dma_start3A_17 : memref<4096x512xf32, #tpu.memory_space<vmem>>) target_semaphore(%dma_start3A_13 : memref<!tpu.dma_semaphore, #tpu.memory_space<semaphore_mem>>)
    %dma_start3A_21 = arith.constant 2 : i32
    %dma_start3A_22 = arith.constant 2 : i32
    %dma_start3A_23 = tpu.memref_slice %arg6[%dma_start3A_22] : memref<3x!tpu.dma_semaphore, #tpu.memory_space<semaphore_mem>> -> memref<1x!tpu.dma_semaphore, #tpu.memory_space<semaphore_mem>>
    %dma_start3A_24 = tpu.memref_squeeze %dma_start3A_23 : memref<1x!tpu.dma_semaphore, #tpu.memory_space<semaphore_mem>> -> memref<!tpu.dma_semaphore, #tpu.memory_space<semaphore_mem>>
    %dma_start3A_25 = arith.constant 0 : i32
    %dma_start3A_26 = arith.constant 0 : i32
    %dma_start3A_27 = tpu.memref_slice %arg4[%dma_start3A_21, %dma_start3A_25, %dma_start3A_26] : memref<3x4096x512xf32, #tpu.memory_space<vmem>> -> memref<1x4096x512xf32, #tpu.memory_space<vmem>>
    %dma_start3A_28 = tpu.memref_squeeze %dma_start3A_27 : memref<1x4096x512xf32, #tpu.memory_space<vmem>> -> memref<4096x512xf32, #tpu.memory_space<vmem>>
    %dma_start3A_29 = arith.constant 12288 : i32
    %dma_start3A_30 = arith.constant 0 : i32
    %dma_start3A_31 = tpu.memref_slice %arg0[%dma_start3A_29, %dma_start3A_30] : memref<32768x512xf32, #tpu.memory_space<any>> -> memref<4096x512xf32, #tpu.memory_space<any>>
    tpu.enqueue_dma source(%dma_start3A_31 : memref<4096x512xf32, #tpu.memory_space<any>>) target(%dma_start3A_28 : memref<4096x512xf32, #tpu.memory_space<vmem>>) target_semaphore(%dma_start3A_24 : memref<!tpu.dma_semaphore, #tpu.memory_space<semaphore_mem>>)
    %dma_wait3A = arith.constant 0 : i32
    %dma_wait3A_32 = arith.constant 0 : i32
    %dma_wait3A_33 = tpu.memref_slice %arg6[%dma_wait3A_32] : memref<3x!tpu.dma_semaphore, #tpu.memory_space<semaphore_mem>> -> memref<1x!tpu.dma_semaphore, #tpu.memory_space<semaphore_mem>>
    %dma_wait3A_34 = tpu.memref_squeeze %dma_wait3A_33 : memref<1x!tpu.dma_semaphore, #tpu.memory_space<semaphore_mem>> -> memref<!tpu.dma_semaphore, #tpu.memory_space<semaphore_mem>>
    %dma_wait3A_35 = arith.constant 0 : i32
    %dma_wait3A_36 = arith.constant 0 : i32
    %dma_wait3A_37 = tpu.memref_slice %arg4[%dma_wait3A, %dma_wait3A_35, %dma_wait3A_36] : memref<3x4096x512xf32, #tpu.memory_space<vmem>> -> memref<1x4096x512xf32, #tpu.memory_space<vmem>>
    %dma_wait3A_38 = tpu.memref_squeeze %dma_wait3A_37 : memref<1x4096x512xf32, #tpu.memory_space<vmem>> -> memref<4096x512xf32, #tpu.memory_space<vmem>>
    %dma_wait3A_39 = arith.constant 4096 : i32
    %dma_wait3A_40 = arith.constant 0 : i32
    %dma_wait3A_41 = tpu.memref_slice %arg0[%dma_wait3A_39, %dma_wait3A_40] : memref<32768x512xf32, #tpu.memory_space<any>> -> memref<4096x512xf32, #tpu.memory_space<any>>
    tpu.wait_dma2 semaphore(%dma_wait3A_34 : memref<!tpu.dma_semaphore, #tpu.memory_space<semaphore_mem>>) src(%dma_wait3A_41 : memref<4096x512xf32, #tpu.memory_space<any>>) dst(%dma_wait3A_38 : memref<4096x512xf32, #tpu.memory_space<vmem>>)
    %get3A = arith.constant 0 : index
    %get3A_42 = arith.constant 0 : index
    %get3A_43 = arith.constant 0 : index
    %get3A_44 = vector.load %arg4[%get3A, %get3A_42, %get3A_43] : memref<3x4096x512xf32, #tpu.memory_space<vmem>>, vector<1x4096x512xf32>
    %get3A_45 = vector.shape_cast %get3A_44 : vector<1x4096x512xf32> to vector<4096x512xf32>
    %reshape3A = vector.shape_cast %get3A_45 : vector<4096x512xf32> to vector<32x128x512xf32>
    %get3A_46 = arith.constant 32 : index
    %get3A_47 = arith.constant 0 : index
    %get3A_48 = vector.load %arg1[%get3A_46, %get3A_47] : memref<256x128xf32, #tpu.memory_space<vmem>>, vector<32x128xf32>
    %reshape3A_49 = vector.shape_cast %get3A_48 : vector<32x128xf32> to vector<32x128x1xf32>
    %mul3A = vector.broadcast %reshape3A_49 : vector<32x128x1xf32> to vector<32x128x512xf32>
    %mul3A_50 = arith.mulf %reshape3A, %mul3A : vector<32x128x512xf32>
    %reshape3A_51 = vector.shape_cast %mul3A_50 : vector<32x128x512xf32> to vector<4096x512xf32>
    %swap3A = arith.constant 0 : index
    %swap3A_52 = arith.constant 0 : index
    %swap3A_53 = arith.constant 0 : index
    %swap3A_54 = vector.load %arg5[%swap3A, %swap3A_52, %swap3A_53] : memref<2x4096x512xf32, #tpu.memory_space<vmem>>, vector<1x4096x512xf32>
    %swap3A_55 = vector.shape_cast %swap3A_54 : vector<1x4096x512xf32> to vector<4096x512xf32>
    %swap3A_56 = vector.shape_cast %reshape3A_51 : vector<4096x512xf32> to vector<1x4096x512xf32>
    tpu.vector_store %arg5[%swap3A, %swap3A_52, %swap3A_53], %swap3A_56 {strides = array<i32>} : memref<2x4096x512xf32, #tpu.memory_space<vmem>>, vector<1x4096x512xf32>,
    %dma_start3A_57 = arith.constant 0 : i32
    %dma_start3A_58 = arith.constant 0 : i32
    %dma_start3A_59 = tpu.memref_slice %arg7[%dma_start3A_58] : memref<2x!tpu.dma_semaphore, #tpu.memory_space<semaphore_mem>> -> memref<1x!tpu.dma_semaphore, #tpu.memory_space<semaphore_mem>>
    %dma_start3A_60 = tpu.memref_squeeze %dma_start3A_59 : memref<1x!tpu.dma_semaphore, #tpu.memory_space<semaphore_mem>> -> memref<!tpu.dma_semaphore, #tpu.memory_space<semaphore_mem>>
    %dma_start3A_61 = arith.constant 4096 : i32
    %dma_start3A_62 = arith.constant 0 : i32
    %dma_start3A_63 = tpu.memref_slice %arg3[%dma_start3A_61, %dma_start3A_62] : memref<32768x512xf32, #tpu.memory_space<any>> -> memref<4096x512xf32, #tpu.memory_space<any>>
    %dma_start3A_64 = arith.constant 0 : i32
    %dma_start3A_65 = arith.constant 0 : i32
    %dma_start3A_66 = tpu.memref_slice %arg5[%dma_start3A_57, %dma_start3A_64, %dma_start3A_65] : memref<2x4096x512xf32, #tpu.memory_space<vmem>> -> memref<1x4096x512xf32, #tpu.memory_space<vmem>>
    %dma_start3A_67 = tpu.memref_squeeze %dma_start3A_66 : memref<1x4096x512xf32, #tpu.memory_space<vmem>> -> memref<4096x512xf32, #tpu.memory_space<vmem>>
    tpu.enqueue_dma source(%dma_start3A_67 : memref<4096x512xf32, #tpu.memory_space<vmem>>) target(%dma_start3A_63 : memref<4096x512xf32, #tpu.memory_space<any>>) target_semaphore(%dma_start3A_60 : memref<!tpu.dma_semaphore, #tpu.memory_space<semaphore_mem>>)
    %dma_start3A_68 = arith.constant 0 : i32
    %dma_start3A_69 = arith.constant 0 : i32
    %dma_start3A_70 = tpu.memref_slice %arg6[%dma_start3A_69] : memref<3x!tpu.dma_semaphore, #tpu.memory_space<semaphore_mem>> -> memref<1x!tpu.dma_semaphore, #tpu.memory_space<semaphore_mem>>
    %dma_start3A_71 = tpu.memref_squeeze %dma_start3A_70 : memref<1x!tpu.dma_semaphore, #tpu.memory_space<semaphore_mem>> -> memref<!tpu.dma_semaphore, #tpu.memory_space<semaphore_mem>>
    %dma_start3A_72 = arith.constant 0 : i32
    %dma_start3A_73 = arith.constant 0 : i32
    %dma_start3A_74 = tpu.memref_slice %arg4[%dma_start3A_68, %dma_start3A_72, %dma_start3A_73] : memref<3x4096x512xf32, #tpu.memory_space<vmem>> -> memref<1x4096x512xf32, #tpu.memory_space<vmem>>
    %dma_start3A_75 = tpu.memref_squeeze %dma_start3A_74 : memref<1x4096x512xf32, #tpu.memory_space<vmem>> -> memref<4096x512xf32, #tpu.memory_space<vmem>>
    %dma_start3A_76 = arith.constant 16384 : i32
    %dma_start3A_77 = arith.constant 0 : i32
    %dma_start3A_78 = tpu.memref_slice %arg0[%dma_start3A_76, %dma_start3A_77] : memref<32768x512xf32, #tpu.memory_space<any>> -> memref<4096x512xf32, #tpu.memory_space<any>>
    tpu.enqueue_dma source(%dma_start3A_78 : memref<4096x512xf32, #tpu.memory_space<any>>) target(%dma_start3A_75 : memref<4096x512xf32, #tpu.memory_space<vmem>>) target_semaphore(%dma_start3A_71 : memref<!tpu.dma_semaphore, #tpu.memory_space<semaphore_mem>>)
    %dma_wait3A_79 = arith.constant 1 : i32
    %dma_wait3A_80 = arith.constant 1 : i32
    %dma_wait3A_81 = tpu.memref_slice %arg6[%dma_wait3A_80] : memref<3x!tpu.dma_semaphore, #tpu.memory_space<semaphore_mem>> -> memref<1x!tpu.dma_semaphore, #tpu.memory_space<semaphore_mem>>
    %dma_wait3A_82 = tpu.memref_squeeze %dma_wait3A_81 : memref<1x!tpu.dma_semaphore, #tpu.memory_space<semaphore_mem>> -> memref<!tpu.dma_semaphore, #tpu.memory_space<semaphore_mem>>
    %dma_wait3A_83 = arith.constant 0 : i32
    %dma_wait3A_84 = arith.constant 0 : i32
    %dma_wait3A_85 = tpu.memref_slice %arg4[%dma_wait3A_79, %dma_wait3A_83, %dma_wait3A_84] : memref<3x4096x512xf32, #tpu.memory_space<vmem>> -> memref<1x4096x512xf32, #tpu.memory_space<vmem>>
    %dma_wait3A_86 = tpu.memref_squeeze %dma_wait3A_85 : memref<1x4096x512xf32, #tpu.memory_space<vmem>> -> memref<4096x512xf32, #tpu.memory_space<vmem>>
    %dma_wait3A_87 = arith.constant 8192 : i32
    %dma_wait3A_88 = arith.constant 0 : i32
    %dma_wait3A_89 = tpu.memref_slice %arg0[%dma_wait3A_87, %dma_wait3A_88] : memref<32768x512xf32, #tpu.memory_space<any>> -> memref<4096x512xf32, #tpu.memory_space<any>>
    tpu.wait_dma2 semaphore(%dma_wait3A_82 : memref<!tpu.dma_semaphore, #tpu.memory_space<semaphore_mem>>) src(%dma_wait3A_89 : memref<4096x512xf32, #tpu.memory_space<any>>) dst(%dma_wait3A_86 : memref<4096x512xf32, #tpu.memory_space<vmem>>)
    %get3A_90 = arith.constant 1 : index
    %get3A_91 = arith.constant 0 : index
    %get3A_92 = arith.constant 0 : index
    %get3A_93 = vector.load %arg4[%get3A_90, %get3A_91, %get3A_92] : memref<3x4096x512xf32, #tpu.memory_space<vmem>>, vector<1x4096x512xf32>
    %get3A_94 = vector.shape_cast %get3A_93 : vector<1x4096x512xf32> to vector<4096x512xf32>
    %reshape3A_95 = vector.shape_cast %get3A_94 : vector<4096x512xf32> to vector<32x128x512xf32>
    %get3A_96 = arith.constant 64 : index
    %get3A_97 = arith.constant 0 : index
    %get3A_98 = vector.load %arg1[%get3A_96, %get3A_97] : memref<256x128xf32, #tpu.memory_space<vmem>>, vector<32x128xf32>
    %reshape3A_99 = vector.shape_cast %get3A_98 : vector<32x128xf32> to vector<32x128x1xf32>
    %mul3A_100 = vector.broadcast %reshape3A_99 : vector<32x128x1xf32> to vector<32x128x512xf32>
    %mul3A_101 = arith.mulf %reshape3A_95, %mul3A_100 : vector<32x128x512xf32>
    %reshape3A_102 = vector.shape_cast %mul3A_101 : vector<32x128x512xf32> to vector<4096x512xf32>
    %swap3A_103 = arith.constant 1 : index
    %swap3A_104 = arith.constant 0 : index
    %swap3A_105 = arith.constant 0 : index
    %swap3A_106 = vector.load %arg5[%swap3A_103, %swap3A_104, %swap3A_105] : memref<2x4096x512xf32, #tpu.memory_space<vmem>>, vector<1x4096x512xf32>
    %swap3A_107 = vector.shape_cast %swap3A_106 : vector<1x4096x512xf32> to vector<4096x512xf32>
    %swap3A_108 = vector.shape_cast %reshape3A_102 : vector<4096x512xf32> to vector<1x4096x512xf32>
    tpu.vector_store %arg5[%swap3A_103, %swap3A_104, %swap3A_105], %swap3A_108 {strides = array<i32>} : memref<2x4096x512xf32, #tpu.memory_space<vmem>>, vector<1x4096x512xf32>,
    %dma_start3A_109 = arith.constant 1 : i32
    %dma_start3A_110 = arith.constant 1 : i32
    %dma_start3A_111 = tpu.memref_slice %arg7[%dma_start3A_110] : memref<2x!tpu.dma_semaphore, #tpu.memory_space<semaphore_mem>> -> memref<1x!tpu.dma_semaphore, #tpu.memory_space<semaphore_mem>>
    %dma_start3A_112 = tpu.memref_squeeze %dma_start3A_111 : memref<1x!tpu.dma_semaphore, #tpu.memory_space<semaphore_mem>> -> memref<!tpu.dma_semaphore, #tpu.memory_space<semaphore_mem>>
    %dma_start3A_113 = arith.constant 8192 : i32
    %dma_start3A_114 = arith.constant 0 : i32
    %dma_start3A_115 = tpu.memref_slice %arg3[%dma_start3A_113, %dma_start3A_114] : memref<32768x512xf32, #tpu.memory_space<any>> -> memref<4096x512xf32, #tpu.memory_space<any>>
    %dma_start3A_116 = arith.constant 0 : i32
    %dma_start3A_117 = arith.constant 0 : i32
    %dma_start3A_118 = tpu.memref_slice %arg5[%dma_start3A_109, %dma_start3A_116, %dma_start3A_117] : memref<2x4096x512xf32, #tpu.memory_space<vmem>> -> memref<1x4096x512xf32, #tpu.memory_space<vmem>>
    %dma_start3A_119 = tpu.memref_squeeze %dma_start3A_118 : memref<1x4096x512xf32, #tpu.memory_space<vmem>> -> memref<4096x512xf32, #tpu.memory_space<vmem>>
    tpu.enqueue_dma source(%dma_start3A_119 : memref<4096x512xf32, #tpu.memory_space<vmem>>) target(%dma_start3A_115 : memref<4096x512xf32, #tpu.memory_space<any>>) target_semaphore(%dma_start3A_112 : memref<!tpu.dma_semaphore, #tpu.memory_space<semaphore_mem>>)
    %dma_start3A_120 = arith.constant 1 : i32
    %dma_start3A_121 = arith.constant 1 : i32
    %dma_start3A_122 = tpu.memref_slice %arg6[%dma_start3A_121] : memref<3x!tpu.dma_semaphore, #tpu.memory_space<semaphore_mem>> -> memref<1x!tpu.dma_semaphore, #tpu.memory_space<semaphore_mem>>
    %dma_start3A_123 = tpu.memref_squeeze %dma_start3A_122 : memref<1x!tpu.dma_semaphore, #tpu.memory_space<semaphore_mem>> -> memref<!tpu.dma_semaphore, #tpu.memory_space<semaphore_mem>>
    %dma_start3A_124 = arith.constant 0 : i32
    %dma_start3A_125 = arith.constant 0 : i32
    %dma_start3A_126 = tpu.memref_slice %arg4[%dma_start3A_120, %dma_start3A_124, %dma_start3A_125] : memref<3x4096x512xf32, #tpu.memory_space<vmem>> -> memref<1x4096x512xf32, #tpu.memory_space<vmem>>
    %dma_start3A_127 = tpu.memref_squeeze %dma_start3A_126 : memref<1x4096x512xf32, #tpu.memory_space<vmem>> -> memref<4096x512xf32, #tpu.memory_space<vmem>>
    %dma_start3A_128 = arith.constant 20480 : i32
    %dma_start3A_129 = arith.constant 0 : i32
    %dma_start3A_130 = tpu.memref_slice %arg0[%dma_start3A_128, %dma_start3A_129] : memref<32768x512xf32, #tpu.memory_space<any>> -> memref<4096x512xf32, #tpu.memory_space<any>>
    tpu.enqueue_dma source(%dma_start3A_130 : memref<4096x512xf32, #tpu.memory_space<any>>) target(%dma_start3A_127 : memref<4096x512xf32, #tpu.memory_space<vmem>>) target_semaphore(%dma_start3A_123 : memref<!tpu.dma_semaphore, #tpu.memory_space<semaphore_mem>>)
    %dma_wait3A_131 = arith.constant 2 : i32
    %dma_wait3A_132 = arith.constant 2 : i32
    %dma_wait3A_133 = tpu.memref_slice %arg6[%dma_wait3A_132] : memref<3x!tpu.dma_semaphore, #tpu.memory_space<semaphore_mem>> -> memref<1x!tpu.dma_semaphore, #tpu.memory_space<semaphore_mem>>
    %dma_wait3A_134 = tpu.memref_squeeze %dma_wait3A_133 : memref<1x!tpu.dma_semaphore, #tpu.memory_space<semaphore_mem>> -> memref<!tpu.dma_semaphore, #tpu.memory_space<semaphore_mem>>
    %dma_wait3A_135 = arith.constant 0 : i32
    %dma_wait3A_136 = arith.constant 0 : i32
    %dma_wait3A_137 = tpu.memref_slice %arg4[%dma_wait3A_131, %dma_wait3A_135, %dma_wait3A_136] : memref<3x4096x512xf32, #tpu.memory_space<vmem>> -> memref<1x4096x512xf32, #tpu.memory_space<vmem>>
    %dma_wait3A_138 = tpu.memref_squeeze %dma_wait3A_137 : memref<1x4096x512xf32, #tpu.memory_space<vmem>> -> memref<4096x512xf32, #tpu.memory_space<vmem>>
    %dma_wait3A_139 = arith.constant 12288 : i32
    %dma_wait3A_140 = arith.constant 0 : i32
    %dma_wait3A_141 = tpu.memref_slice %arg0[%dma_wait3A_139, %dma_wait3A_140] : memref<32768x512xf32, #tpu.memory_space<any>> -> memref<4096x512xf32, #tpu.memory_space<any>>
    tpu.wait_dma2 semaphore(%dma_wait3A_134 : memref<!tpu.dma_semaphore, #tpu.memory_space<semaphore_mem>>) src(%dma_wait3A_141 : memref<4096x512xf32, #tpu.memory_space<any>>) dst(%dma_wait3A_138 : memref<4096x512xf32, #tpu.memory_space<vmem>>)
    %dma_wait3A_142 = arith.constant 0 : i32
    %dma_wait3A_143 = arith.constant 0 : i32
    %dma_wait3A_144 = tpu.memref_slice %arg7[%dma_wait3A_143] : memref<2x!tpu.dma_semaphore, #tpu.memory_space<semaphore_mem>> -> memref<1x!tpu.dma_semaphore, #tpu.memory_space<semaphore_mem>>
    %dma_wait3A_145 = tpu.memref_squeeze %dma_wait3A_144 : memref<1x!tpu.dma_semaphore, #tpu.memory_space<semaphore_mem>> -> memref<!tpu.dma_semaphore, #tpu.memory_space<semaphore_mem>>
    %dma_wait3A_146 = arith.constant 4096 : i32
    %dma_wait3A_147 = arith.constant 0 : i32
    %dma_wait3A_148 = tpu.memref_slice %arg3[%dma_wait3A_146, %dma_wait3A_147] : memref<32768x512xf32, #tpu.memory_space<any>> -> memref<4096x512xf32, #tpu.memory_space<any>>
    %dma_wait3A_149 = arith.constant 0 : i32
    %dma_wait3A_150 = arith.constant 0 : i32
    %dma_wait3A_151 = tpu.memref_slice %arg5[%dma_wait3A_142, %dma_wait3A_149, %dma_wait3A_150] : memref<2x4096x512xf32, #tpu.memory_space<vmem>> -> memref<1x4096x512xf32, #tpu.memory_space<vmem>>
    %dma_wait3A_152 = tpu.memref_squeeze %dma_wait3A_151 : memref<1x4096x512xf32, #tpu.memory_space<vmem>> -> memref<4096x512xf32, #tpu.memory_space<vmem>>
    tpu.wait_dma2 semaphore(%dma_wait3A_145 : memref<!tpu.dma_semaphore, #tpu.memory_space<semaphore_mem>>) src(%dma_wait3A_152 : memref<4096x512xf32, #tpu.memory_space<vmem>>) dst(%dma_wait3A_148 : memref<4096x512xf32, #tpu.memory_space<any>>)
    %get3A_153 = arith.constant 2 : index
    %get3A_154 = arith.constant 0 : index
    %get3A_155 = arith.constant 0 : index
    %get3A_156 = vector.load %arg4[%get3A_153, %get3A_154, %get3A_155] : memref<3x4096x512xf32, #tpu.memory_space<vmem>>, vector<1x4096x512xf32>
    %get3A_157 = vector.shape_cast %get3A_156 : vector<1x4096x512xf32> to vector<4096x512xf32>
    %reshape3A_158 = vector.shape_cast %get3A_157 : vector<4096x512xf32> to vector<32x128x512xf32>
    %get3A_159 = arith.constant 96 : index
    %get3A_160 = arith.constant 0 : index
    %get3A_161 = vector.load %arg1[%get3A_159, %get3A_160] : memref<256x128xf32, #tpu.memory_space<vmem>>, vector<32x128xf32>
    %reshape3A_162 = vector.shape_cast %get3A_161 : vector<32x128xf32> to vector<32x128x1xf32>
    %mul3A_163 = vector.broadcast %reshape3A_162 : vector<32x128x1xf32> to vector<32x128x512xf32>
    %mul3A_164 = arith.mulf %reshape3A_158, %mul3A_163 : vector<32x128x512xf32>
    %reshape3A_165 = vector.shape_cast %mul3A_164 : vector<32x128x512xf32> to vector<4096x512xf32>
    %swap3A_166 = arith.constant 0 : index
    %swap3A_167 = arith.constant 0 : index
    %swap3A_168 = arith.constant 0 : index
    %swap3A_169 = vector.load %arg5[%swap3A_166, %swap3A_167, %swap3A_168] : memref<2x4096x512xf32, #tpu.memory_space<vmem>>, vector<1x4096x512xf32>
    %swap3A_170 = vector.shape_cast %swap3A_169 : vector<1x4096x512xf32> to vector<4096x512xf32>
    %swap3A_171 = vector.shape_cast %reshape3A_165 : vector<4096x512xf32> to vector<1x4096x512xf32>
    tpu.vector_store %arg5[%swap3A_166, %swap3A_167, %swap3A_168], %swap3A_171 {strides = array<i32>} : memref<2x4096x512xf32, #tpu.memory_space<vmem>>, vector<1x4096x512xf32>,
    %dma_start3A_172 = arith.constant 0 : i32
    %dma_start3A_173 = arith.constant 0 : i32
    %dma_start3A_174 = tpu.memref_slice %arg7[%dma_start3A_173] : memref<2x!tpu.dma_semaphore, #tpu.memory_space<semaphore_mem>> -> memref<1x!tpu.dma_semaphore, #tpu.memory_space<semaphore_mem>>
    %dma_start3A_175 = tpu.memref_squeeze %dma_start3A_174 : memref<1x!tpu.dma_semaphore, #tpu.memory_space<semaphore_mem>> -> memref<!tpu.dma_semaphore, #tpu.memory_space<semaphore_mem>>
    %dma_start3A_176 = arith.constant 12288 : i32
    %dma_start3A_177 = arith.constant 0 : i32
    %dma_start3A_178 = tpu.memref_slice %arg3[%dma_start3A_176, %dma_start3A_177] : memref<32768x512xf32, #tpu.memory_space<any>> -> memref<4096x512xf32, #tpu.memory_space<any>>
    %dma_start3A_179 = arith.constant 0 : i32
    %dma_start3A_180 = arith.constant 0 : i32
    %dma_start3A_181 = tpu.memref_slice %arg5[%dma_start3A_172, %dma_start3A_179, %dma_start3A_180] : memref<2x4096x512xf32, #tpu.memory_space<vmem>> -> memref<1x4096x512xf32, #tpu.memory_space<vmem>>
    %dma_start3A_182 = tpu.memref_squeeze %dma_start3A_181 : memref<1x4096x512xf32, #tpu.memory_space<vmem>> -> memref<4096x512xf32, #tpu.memory_space<vmem>>
    tpu.enqueue_dma source(%dma_start3A_182 : memref<4096x512xf32, #tpu.memory_space<vmem>>) target(%dma_start3A_178 : memref<4096x512xf32, #tpu.memory_space<any>>) target_semaphore(%dma_start3A_175 : memref<!tpu.dma_semaphore, #tpu.memory_space<semaphore_mem>>)
    %dma_start3A_183 = arith.constant 2 : i32
    %dma_start3A_184 = arith.constant 2 : i32
    %dma_start3A_185 = tpu.memref_slice %arg6[%dma_start3A_184] : memref<3x!tpu.dma_semaphore, #tpu.memory_space<semaphore_mem>> -> memref<1x!tpu.dma_semaphore, #tpu.memory_space<semaphore_mem>>
    %dma_start3A_186 = tpu.memref_squeeze %dma_start3A_185 : memref<1x!tpu.dma_semaphore, #tpu.memory_space<semaphore_mem>> -> memref<!tpu.dma_semaphore, #tpu.memory_space<semaphore_mem>>
    %dma_start3A_187 = arith.constant 0 : i32
    %dma_start3A_188 = arith.constant 0 : i32
    %dma_start3A_189 = tpu.memref_slice %arg4[%dma_start3A_183, %dma_start3A_187, %dma_start3A_188] : memref<3x4096x512xf32, #tpu.memory_space<vmem>> -> memref<1x4096x512xf32, #tpu.memory_space<vmem>>
    %dma_start3A_190 = tpu.memref_squeeze %dma_start3A_189 : memref<1x4096x512xf32, #tpu.memory_space<vmem>> -> memref<4096x512xf32, #tpu.memory_space<vmem>>
    %dma_start3A_191 = arith.constant 24576 : i32
    %dma_start3A_192 = arith.constant 0 : i32
    %dma_start3A_193 = tpu.memref_slice %arg0[%dma_start3A_191, %dma_start3A_192] : memref<32768x512xf32, #tpu.memory_space<any>> -> memref<4096x512xf32, #tpu.memory_space<any>>
    tpu.enqueue_dma source(%dma_start3A_193 : memref<4096x512xf32, #tpu.memory_space<any>>) target(%dma_start3A_190 : memref<4096x512xf32, #tpu.memory_space<vmem>>) target_semaphore(%dma_start3A_186 : memref<!tpu.dma_semaphore, #tpu.memory_space<semaphore_mem>>)
    %dma_wait3A_194 = arith.constant 0 : i32
    %dma_wait3A_195 = arith.constant 0 : i32
    %dma_wait3A_196 = tpu.memref_slice %arg6[%dma_wait3A_195] : memref<3x!tpu.dma_semaphore, #tpu.memory_space<semaphore_mem>> -> memref<1x!tpu.dma_semaphore, #tpu.memory_space<semaphore_mem>>
    %dma_wait3A_197 = tpu.memref_squeeze %dma_wait3A_196 : memref<1x!tpu.dma_semaphore, #tpu.memory_space<semaphore_mem>> -> memref<!tpu.dma_semaphore, #tpu.memory_space<semaphore_mem>>
    %dma_wait3A_198 = arith.constant 0 : i32
    %dma_wait3A_199 = arith.constant 0 : i32
    %dma_wait3A_200 = tpu.memref_slice %arg4[%dma_wait3A_194, %dma_wait3A_198, %dma_wait3A_199] : memref<3x4096x512xf32, #tpu.memory_space<vmem>> -> memref<1x4096x512xf32, #tpu.memory_space<vmem>>
    %dma_wait3A_201 = tpu.memref_squeeze %dma_wait3A_200 : memref<1x4096x512xf32, #tpu.memory_space<vmem>> -> memref<4096x512xf32, #tpu.memory_space<vmem>>
    %dma_wait3A_202 = arith.constant 16384 : i32
    %dma_wait3A_203 = arith.constant 0 : i32
    %dma_wait3A_204 = tpu.memref_slice %arg0[%dma_wait3A_202, %dma_wait3A_203] : memref<32768x512xf32, #tpu.memory_space<any>> -> memref<4096x512xf32, #tpu.memory_space<any>>
    tpu.wait_dma2 semaphore(%dma_wait3A_197 : memref<!tpu.dma_semaphore, #tpu.memory_space<semaphore_mem>>) src(%dma_wait3A_204 : memref<4096x512xf32, #tpu.memory_space<any>>) dst(%dma_wait3A_201 : memref<4096x512xf32, #tpu.memory_space<vmem>>)
    %dma_wait3A_205 = arith.constant 1 : i32
    %dma_wait3A_206 = arith.constant 1 : i32
    %dma_wait3A_207 = tpu.memref_slice %arg7[%dma_wait3A_206] : memref<2x!tpu.dma_semaphore, #tpu.memory_space<semaphore_mem>> -> memref<1x!tpu.dma_semaphore, #tpu.memory_space<semaphore_mem>>
    %dma_wait3A_208 = tpu.memref_squeeze %dma_wait3A_207 : memref<1x!tpu.dma_semaphore, #tpu.memory_space<semaphore_mem>> -> memref<!tpu.dma_semaphore, #tpu.memory_space<semaphore_mem>>
    %dma_wait3A_209 = arith.constant 8192 : i32
    %dma_wait3A_210 = arith.constant 0 : i32
    %dma_wait3A_211 = tpu.memref_slice %arg3[%dma_wait3A_209, %dma_wait3A_210] : memref<32768x512xf32, #tpu.memory_space<any>> -> memref<4096x512xf32, #tpu.memory_space<any>>
    %dma_wait3A_212 = arith.constant 0 : i32
    %dma_wait3A_213 = arith.constant 0 : i32
    %dma_wait3A_214 = tpu.memref_slice %arg5[%dma_wait3A_205, %dma_wait3A_212, %dma_wait3A_213] : memref<2x4096x512xf32, #tpu.memory_space<vmem>> -> memref<1x4096x512xf32, #tpu.memory_space<vmem>>
    %dma_wait3A_215 = tpu.memref_squeeze %dma_wait3A_214 : memref<1x4096x512xf32, #tpu.memory_space<vmem>> -> memref<4096x512xf32, #tpu.memory_space<vmem>>
    tpu.wait_dma2 semaphore(%dma_wait3A_208 : memref<!tpu.dma_semaphore, #tpu.memory_space<semaphore_mem>>) src(%dma_wait3A_215 : memref<4096x512xf32, #tpu.memory_space<vmem>>) dst(%dma_wait3A_211 : memref<4096x512xf32, #tpu.memory_space<any>>)
    %get3A_216 = arith.constant 0 : index
    %get3A_217 = arith.constant 0 : index
    %get3A_218 = arith.constant 0 : index
    %get3A_219 = vector.load %arg4[%get3A_216, %get3A_217, %get3A_218] : memref<3x4096x512xf32, #tpu.memory_space<vmem>>, vector<1x4096x512xf32>
    %get3A_220 = vector.shape_cast %get3A_219 : vector<1x4096x512xf32> to vector<4096x512xf32>
    %reshape3A_221 = vector.shape_cast %get3A_220 : vector<4096x512xf32> to vector<32x128x512xf32>
    %get3A_222 = arith.constant 128 : index
    %get3A_223 = arith.constant 0 : index
    %get3A_224 = vector.load %arg1[%get3A_222, %get3A_223] : memref<256x128xf32, #tpu.memory_space<vmem>>, vector<32x128xf32>
    %reshape3A_225 = vector.shape_cast %get3A_224 : vector<32x128xf32> to vector<32x128x1xf32>
    %mul3A_226 = vector.broadcast %reshape3A_225 : vector<32x128x1xf32> to vector<32x128x512xf32>
    %mul3A_227 = arith.mulf %reshape3A_221, %mul3A_226 : vector<32x128x512xf32>
    %reshape3A_228 = vector.shape_cast %mul3A_227 : vector<32x128x512xf32> to vector<4096x512xf32>
    %swap3A_229 = arith.constant 1 : index
    %swap3A_230 = arith.constant 0 : index
    %swap3A_231 = arith.constant 0 : index
    %swap3A_232 = vector.load %arg5[%swap3A_229, %swap3A_230, %swap3A_231] : memref<2x4096x512xf32, #tpu.memory_space<vmem>>, vector<1x4096x512xf32>
    %swap3A_233 = vector.shape_cast %swap3A_232 : vector<1x4096x512xf32> to vector<4096x512xf32>
    %swap3A_234 = vector.shape_cast %reshape3A_228 : vector<4096x512xf32> to vector<1x4096x512xf32>
    tpu.vector_store %arg5[%swap3A_229, %swap3A_230, %swap3A_231], %swap3A_234 {strides = array<i32>} : memref<2x4096x512xf32, #tpu.memory_space<vmem>>, vector<1x4096x512xf32>,
    %dma_start3A_235 = arith.constant 1 : i32
    %dma_start3A_236 = arith.constant 1 : i32
    %dma_start3A_237 = tpu.memref_slice %arg7[%dma_start3A_236] : memref<2x!tpu.dma_semaphore, #tpu.memory_space<semaphore_mem>> -> memref<1x!tpu.dma_semaphore, #tpu.memory_space<semaphore_mem>>
    %dma_start3A_238 = tpu.memref_squeeze %dma_start3A_237 : memref<1x!tpu.dma_semaphore, #tpu.memory_space<semaphore_mem>> -> memref<!tpu.dma_semaphore, #tpu.memory_space<semaphore_mem>>
    %dma_start3A_239 = arith.constant 16384 : i32
    %dma_start3A_240 = arith.constant 0 : i32
    %dma_start3A_241 = tpu.memref_slice %arg3[%dma_start3A_239, %dma_start3A_240] : memref<32768x512xf32, #tpu.memory_space<any>> -> memref<4096x512xf32, #tpu.memory_space<any>>
    %dma_start3A_242 = arith.constant 0 : i32
    %dma_start3A_243 = arith.constant 0 : i32
    %dma_start3A_244 = tpu.memref_slice %arg5[%dma_start3A_235, %dma_start3A_242, %dma_start3A_243] : memref<2x4096x512xf32, #tpu.memory_space<vmem>> -> memref<1x4096x512xf32, #tpu.memory_space<vmem>>
    %dma_start3A_245 = tpu.memref_squeeze %dma_start3A_244 : memref<1x4096x512xf32, #tpu.memory_space<vmem>> -> memref<4096x512xf32, #tpu.memory_space<vmem>>
    tpu.enqueue_dma source(%dma_start3A_245 : memref<4096x512xf32, #tpu.memory_space<vmem>>) target(%dma_start3A_241 : memref<4096x512xf32, #tpu.memory_space<any>>) target_semaphore(%dma_start3A_238 : memref<!tpu.dma_semaphore, #tpu.memory_space<semaphore_mem>>)
    %dma_start3A_246 = arith.constant 0 : i32
    %dma_start3A_247 = arith.constant 0 : i32
    %dma_start3A_248 = tpu.memref_slice %arg6[%dma_start3A_247] : memref<3x!tpu.dma_semaphore, #tpu.memory_space<semaphore_mem>> -> memref<1x!tpu.dma_semaphore, #tpu.memory_space<semaphore_mem>>
    %dma_start3A_249 = tpu.memref_squeeze %dma_start3A_248 : memref<1x!tpu.dma_semaphore, #tpu.memory_space<semaphore_mem>> -> memref<!tpu.dma_semaphore, #tpu.memory_space<semaphore_mem>>
    %dma_start3A_250 = arith.constant 0 : i32
    %dma_start3A_251 = arith.constant 0 : i32
    %dma_start3A_252 = tpu.memref_slice %arg4[%dma_start3A_246, %dma_start3A_250, %dma_start3A_251] : memref<3x4096x512xf32, #tpu.memory_space<vmem>> -> memref<1x4096x512xf32, #tpu.memory_space<vmem>>
    %dma_start3A_253 = tpu.memref_squeeze %dma_start3A_252 : memref<1x4096x512xf32, #tpu.memory_space<vmem>> -> memref<4096x512xf32, #tpu.memory_space<vmem>>
    %dma_start3A_254 = arith.constant 28672 : i32
    %dma_start3A_255 = arith.constant 0 : i32
    %dma_start3A_256 = tpu.memref_slice %arg0[%dma_start3A_254, %dma_start3A_255] : memref<32768x512xf32, #tpu.memory_space<any>> -> memref<4096x512xf32, #tpu.memory_space<any>>
    tpu.enqueue_dma source(%dma_start3A_256 : memref<4096x512xf32, #tpu.memory_space<any>>) target(%dma_start3A_253 : memref<4096x512xf32, #tpu.memory_space<vmem>>) target_semaphore(%dma_start3A_249 : memref<!tpu.dma_semaphore, #tpu.memory_space<semaphore_mem>>)
    %dma_wait3A_257 = arith.constant 1 : i32
    %dma_wait3A_258 = arith.constant 1 : i32
    %dma_wait3A_259 = tpu.memref_slice %arg6[%dma_wait3A_258] : memref<3x!tpu.dma_semaphore, #tpu.memory_space<semaphore_mem>> -> memref<1x!tpu.dma_semaphore, #tpu.memory_space<semaphore_mem>>
    %dma_wait3A_260 = tpu.memref_squeeze %dma_wait3A_259 : memref<1x!tpu.dma_semaphore, #tpu.memory_space<semaphore_mem>> -> memref<!tpu.dma_semaphore, #tpu.memory_space<semaphore_mem>>
    %dma_wait3A_261 = arith.constant 0 : i32
    %dma_wait3A_262 = arith.constant 0 : i32
    %dma_wait3A_263 = tpu.memref_slice %arg4[%dma_wait3A_257, %dma_wait3A_261, %dma_wait3A_262] : memref<3x4096x512xf32, #tpu.memory_space<vmem>> -> memref<1x4096x512xf32, #tpu.memory_space<vmem>>
    %dma_wait3A_264 = tpu.memref_squeeze %dma_wait3A_263 : memref<1x4096x512xf32, #tpu.memory_space<vmem>> -> memref<4096x512xf32, #tpu.memory_space<vmem>>
    %dma_wait3A_265 = arith.constant 20480 : i32
    %dma_wait3A_266 = arith.constant 0 : i32
    %dma_wait3A_267 = tpu.memref_slice %arg0[%dma_wait3A_265, %dma_wait3A_266] : memref<32768x512xf32, #tpu.memory_space<any>> -> memref<4096x512xf32, #tpu.memory_space<any>>
    tpu.wait_dma2 semaphore(%dma_wait3A_260 : memref<!tpu.dma_semaphore, #tpu.memory_space<semaphore_mem>>) src(%dma_wait3A_267 : memref<4096x512xf32, #tpu.memory_space<any>>) dst(%dma_wait3A_264 : memref<4096x512xf32, #tpu.memory_space<vmem>>)
    %dma_wait3A_268 = arith.constant 0 : i32
    %dma_wait3A_269 = arith.constant 0 : i32
    %dma_wait3A_270 = tpu.memref_slice %arg7[%dma_wait3A_269] : memref<2x!tpu.dma_semaphore, #tpu.memory_space<semaphore_mem>> -> memref<1x!tpu.dma_semaphore, #tpu.memory_space<semaphore_mem>>
    %dma_wait3A_271 = tpu.memref_squeeze %dma_wait3A_270 : memref<1x!tpu.dma_semaphore, #tpu.memory_space<semaphore_mem>> -> memref<!tpu.dma_semaphore, #tpu.memory_space<semaphore_mem>>
    %dma_wait3A_272 = arith.constant 12288 : i32
    %dma_wait3A_273 = arith.constant 0 : i32
    %dma_wait3A_274 = tpu.memref_slice %arg3[%dma_wait3A_272, %dma_wait3A_273] : memref<32768x512xf32, #tpu.memory_space<any>> -> memref<4096x512xf32, #tpu.memory_space<any>>
    %dma_wait3A_275 = arith.constant 0 : i32
    %dma_wait3A_276 = arith.constant 0 : i32
    %dma_wait3A_277 = tpu.memref_slice %arg5[%dma_wait3A_268, %dma_wait3A_275, %dma_wait3A_276] : memref<2x4096x512xf32, #tpu.memory_space<vmem>> -> memref<1x4096x512xf32, #tpu.memory_space<vmem>>
    %dma_wait3A_278 = tpu.memref_squeeze %dma_wait3A_277 : memref<1x4096x512xf32, #tpu.memory_space<vmem>> -> memref<4096x512xf32, #tpu.memory_space<vmem>>
    tpu.wait_dma2 semaphore(%dma_wait3A_271 : memref<!tpu.dma_semaphore, #tpu.memory_space<semaphore_mem>>) src(%dma_wait3A_278 : memref<4096x512xf32, #tpu.memory_space<vmem>>) dst(%dma_wait3A_274 : memref<4096x512xf32, #tpu.memory_space<any>>)
    %get3A_279 = arith.constant 1 : index
    %get3A_280 = arith.constant 0 : index
    %get3A_281 = arith.constant 0 : index
    %get3A_282 = vector.load %arg4[%get3A_279, %get3A_280, %get3A_281] : memref<3x4096x512xf32, #tpu.memory_space<vmem>>, vector<1x4096x512xf32>
    %get3A_283 = vector.shape_cast %get3A_282 : vector<1x4096x512xf32> to vector<4096x512xf32>
    %reshape3A_284 = vector.shape_cast %get3A_283 : vector<4096x512xf32> to vector<32x128x512xf32>
    %get3A_285 = arith.constant 160 : index
    %get3A_286 = arith.constant 0 : index
    %get3A_287 = vector.load %arg1[%get3A_285, %get3A_286] : memref<256x128xf32, #tpu.memory_space<vmem>>, vector<32x128xf32>
    %reshape3A_288 = vector.shape_cast %get3A_287 : vector<32x128xf32> to vector<32x128x1xf32>
    %mul3A_289 = vector.broadcast %reshape3A_288 : vector<32x128x1xf32> to vector<32x128x512xf32>
    %mul3A_290 = arith.mulf %reshape3A_284, %mul3A_289 : vector<32x128x512xf32>
    %reshape3A_291 = vector.shape_cast %mul3A_290 : vector<32x128x512xf32> to vector<4096x512xf32>
    %swap3A_292 = arith.constant 0 : index
    %swap3A_293 = arith.constant 0 : index
    %swap3A_294 = arith.constant 0 : index
    %swap3A_295 = vector.load %arg5[%swap3A_292, %swap3A_293, %swap3A_294] : memref<2x4096x512xf32, #tpu.memory_space<vmem>>, vector<1x4096x512xf32>
    %swap3A_296 = vector.shape_cast %swap3A_295 : vector<1x4096x512xf32> to vector<4096x512xf32>
    %swap3A_297 = vector.shape_cast %reshape3A_291 : vector<4096x512xf32> to vector<1x4096x512xf32>
    tpu.vector_store %arg5[%swap3A_292, %swap3A_293, %swap3A_294], %swap3A_297 {strides = array<i32>} : memref<2x4096x512xf32, #tpu.memory_space<vmem>>, vector<1x4096x512xf32>,
    %dma_start3A_298 = arith.constant 0 : i32
    %dma_start3A_299 = arith.constant 0 : i32
    %dma_start3A_300 = tpu.memref_slice %arg7[%dma_start3A_299] : memref<2x!tpu.dma_semaphore, #tpu.memory_space<semaphore_mem>> -> memref<1x!tpu.dma_semaphore, #tpu.memory_space<semaphore_mem>>
    %dma_start3A_301 = tpu.memref_squeeze %dma_start3A_300 : memref<1x!tpu.dma_semaphore, #tpu.memory_space<semaphore_mem>> -> memref<!tpu.dma_semaphore, #tpu.memory_space<semaphore_mem>>
    %dma_start3A_302 = arith.constant 20480 : i32
    %dma_start3A_303 = arith.constant 0 : i32
    %dma_start3A_304 = tpu.memref_slice %arg3[%dma_start3A_302, %dma_start3A_303] : memref<32768x512xf32, #tpu.memory_space<any>> -> memref<4096x512xf32, #tpu.memory_space<any>>
    %dma_start3A_305 = arith.constant 0 : i32
    %dma_start3A_306 = arith.constant 0 : i32
    %dma_start3A_307 = tpu.memref_slice %arg5[%dma_start3A_298, %dma_start3A_305, %dma_start3A_306] : memref<2x4096x512xf32, #tpu.memory_space<vmem>> -> memref<1x4096x512xf32, #tpu.memory_space<vmem>>
    %dma_start3A_308 = tpu.memref_squeeze %dma_start3A_307 : memref<1x4096x512xf32, #tpu.memory_space<vmem>> -> memref<4096x512xf32, #tpu.memory_space<vmem>>
    tpu.enqueue_dma source(%dma_start3A_308 : memref<4096x512xf32, #tpu.memory_space<vmem>>) target(%dma_start3A_304 : memref<4096x512xf32, #tpu.memory_space<any>>) target_semaphore(%dma_start3A_301 : memref<!tpu.dma_semaphore, #tpu.memory_space<semaphore_mem>>)
    %dma_wait3A_309 = arith.constant 2 : i32
    %dma_wait3A_310 = arith.constant 2 : i32
    %dma_wait3A_311 = tpu.memref_slice %arg6[%dma_wait3A_310] : memref<3x!tpu.dma_semaphore, #tpu.memory_space<semaphore_mem>> -> memref<1x!tpu.dma_semaphore, #tpu.memory_space<semaphore_mem>>
    %dma_wait3A_312 = tpu.memref_squeeze %dma_wait3A_311 : memref<1x!tpu.dma_semaphore, #tpu.memory_space<semaphore_mem>> -> memref<!tpu.dma_semaphore, #tpu.memory_space<semaphore_mem>>
    %dma_wait3A_313 = arith.constant 0 : i32
    %dma_wait3A_314 = arith.constant 0 : i32
    %dma_wait3A_315 = tpu.memref_slice %arg4[%dma_wait3A_309, %dma_wait3A_313, %dma_wait3A_314] : memref<3x4096x512xf32, #tpu.memory_space<vmem>> -> memref<1x4096x512xf32, #tpu.memory_space<vmem>>
    %dma_wait3A_316 = tpu.memref_squeeze %dma_wait3A_315 : memref<1x4096x512xf32, #tpu.memory_space<vmem>> -> memref<4096x512xf32, #tpu.memory_space<vmem>>
    %dma_wait3A_317 = arith.constant 24576 : i32
    %dma_wait3A_318 = arith.constant 0 : i32
    %dma_wait3A_319 = tpu.memref_slice %arg0[%dma_wait3A_317, %dma_wait3A_318] : memref<32768x512xf32, #tpu.memory_space<any>> -> memref<4096x512xf32, #tpu.memory_space<any>>
    tpu.wait_dma2 semaphore(%dma_wait3A_312 : memref<!tpu.dma_semaphore, #tpu.memory_space<semaphore_mem>>) src(%dma_wait3A_319 : memref<4096x512xf32, #tpu.memory_space<any>>) dst(%dma_wait3A_316 : memref<4096x512xf32, #tpu.memory_space<vmem>>)
    %dma_wait3A_320 = arith.constant 1 : i32
    %dma_wait3A_321 = arith.constant 1 : i32
    %dma_wait3A_322 = tpu.memref_slice %arg7[%dma_wait3A_321] : memref<2x!tpu.dma_semaphore, #tpu.memory_space<semaphore_mem>> -> memref<1x!tpu.dma_semaphore, #tpu.memory_space<semaphore_mem>>
    %dma_wait3A_323 = tpu.memref_squeeze %dma_wait3A_322 : memref<1x!tpu.dma_semaphore, #tpu.memory_space<semaphore_mem>> -> memref<!tpu.dma_semaphore, #tpu.memory_space<semaphore_mem>>
    %dma_wait3A_324 = arith.constant 16384 : i32
    %dma_wait3A_325 = arith.constant 0 : i32
    %dma_wait3A_326 = tpu.memref_slice %arg3[%dma_wait3A_324, %dma_wait3A_325] : memref<32768x512xf32, #tpu.memory_space<any>> -> memref<4096x512xf32, #tpu.memory_space<any>>
    %dma_wait3A_327 = arith.constant 0 : i32
    %dma_wait3A_328 = arith.constant 0 : i32
    %dma_wait3A_329 = tpu.memref_slice %arg5[%dma_wait3A_320, %dma_wait3A_327, %dma_wait3A_328] : memref<2x4096x512xf32, #tpu.memory_space<vmem>> -> memref<1x4096x512xf32, #tpu.memory_space<vmem>>
    %dma_wait3A_330 = tpu.memref_squeeze %dma_wait3A_329 : memref<1x4096x512xf32, #tpu.memory_space<vmem>> -> memref<4096x512xf32, #tpu.memory_space<vmem>>
    tpu.wait_dma2 semaphore(%dma_wait3A_323 : memref<!tpu.dma_semaphore, #tpu.memory_space<semaphore_mem>>) src(%dma_wait3A_330 : memref<4096x512xf32, #tpu.memory_space<vmem>>) dst(%dma_wait3A_326 : memref<4096x512xf32, #tpu.memory_space<any>>)
    %get3A_331 = arith.constant 2 : index
    %get3A_332 = arith.constant 0 : index
    %get3A_333 = arith.constant 0 : index
    %get3A_334 = vector.load %arg4[%get3A_331, %get3A_332, %get3A_333] : memref<3x4096x512xf32, #tpu.memory_space<vmem>>, vector<1x4096x512xf32>
    %get3A_335 = vector.shape_cast %get3A_334 : vector<1x4096x512xf32> to vector<4096x512xf32>
    %reshape3A_336 = vector.shape_cast %get3A_335 : vector<4096x512xf32> to vector<32x128x512xf32>
    %get3A_337 = arith.constant 192 : index
    %get3A_338 = arith.constant 0 : index
    %get3A_339 = vector.load %arg1[%get3A_337, %get3A_338] : memref<256x128xf32, #tpu.memory_space<vmem>>, vector<32x128xf32>
    %reshape3A_340 = vector.shape_cast %get3A_339 : vector<32x128xf32> to vector<32x128x1xf32>
    %mul3A_341 = vector.broadcast %reshape3A_340 : vector<32x128x1xf32> to vector<32x128x512xf32>
    %mul3A_342 = arith.mulf %reshape3A_336, %mul3A_341 : vector<32x128x512xf32>
    %reshape3A_343 = vector.shape_cast %mul3A_342 : vector<32x128x512xf32> to vector<4096x512xf32>
    %swap3A_344 = arith.constant 1 : index
    %swap3A_345 = arith.constant 0 : index
    %swap3A_346 = arith.constant 0 : index
    %swap3A_347 = vector.load %arg5[%swap3A_344, %swap3A_345, %swap3A_346] : memref<2x4096x512xf32, #tpu.memory_space<vmem>>, vector<1x4096x512xf32>
    %swap3A_348 = vector.shape_cast %swap3A_347 : vector<1x4096x512xf32> to vector<4096x512xf32>
    %swap3A_349 = vector.shape_cast %reshape3A_343 : vector<4096x512xf32> to vector<1x4096x512xf32>
    tpu.vector_store %arg5[%swap3A_344, %swap3A_345, %swap3A_346], %swap3A_349 {strides = array<i32>} : memref<2x4096x512xf32, #tpu.memory_space<vmem>>, vector<1x4096x512xf32>,
    %dma_start3A_350 = arith.constant 1 : i32
    %dma_start3A_351 = arith.constant 1 : i32
    %dma_start3A_352 = tpu.memref_slice %arg7[%dma_start3A_351] : memref<2x!tpu.dma_semaphore, #tpu.memory_space<semaphore_mem>> -> memref<1x!tpu.dma_semaphore, #tpu.memory_space<semaphore_mem>>
    %dma_start3A_353 = tpu.memref_squeeze %dma_start3A_352 : memref<1x!tpu.dma_semaphore, #tpu.memory_space<semaphore_mem>> -> memref<!tpu.dma_semaphore, #tpu.memory_space<semaphore_mem>>
    %dma_start3A_354 = arith.constant 24576 : i32
    %dma_start3A_355 = arith.constant 0 : i32
    %dma_start3A_356 = tpu.memref_slice %arg3[%dma_start3A_354, %dma_start3A_355] : memref<32768x512xf32, #tpu.memory_space<any>> -> memref<4096x512xf32, #tpu.memory_space<any>>
    %dma_start3A_357 = arith.constant 0 : i32
    %dma_start3A_358 = arith.constant 0 : i32
    %dma_start3A_359 = tpu.memref_slice %arg5[%dma_start3A_350, %dma_start3A_357, %dma_start3A_358] : memref<2x4096x512xf32, #tpu.memory_space<vmem>> -> memref<1x4096x512xf32, #tpu.memory_space<vmem>>
    %dma_start3A_360 = tpu.memref_squeeze %dma_start3A_359 : memref<1x4096x512xf32, #tpu.memory_space<vmem>> -> memref<4096x512xf32, #tpu.memory_space<vmem>>
    tpu.enqueue_dma source(%dma_start3A_360 : memref<4096x512xf32, #tpu.memory_space<vmem>>) target(%dma_start3A_356 : memref<4096x512xf32, #tpu.memory_space<any>>) target_semaphore(%dma_start3A_353 : memref<!tpu.dma_semaphore, #tpu.memory_space<semaphore_mem>>)
    %dma_wait3A_361 = arith.constant 0 : i32
    %dma_wait3A_362 = arith.constant 0 : i32
    %dma_wait3A_363 = tpu.memref_slice %arg6[%dma_wait3A_362] : memref<3x!tpu.dma_semaphore, #tpu.memory_space<semaphore_mem>> -> memref<1x!tpu.dma_semaphore, #tpu.memory_space<semaphore_mem>>
    %dma_wait3A_364 = tpu.memref_squeeze %dma_wait3A_363 : memref<1x!tpu.dma_semaphore, #tpu.memory_space<semaphore_mem>> -> memref<!tpu.dma_semaphore, #tpu.memory_space<semaphore_mem>>
    %dma_wait3A_365 = arith.constant 0 : i32
    %dma_wait3A_366 = arith.constant 0 : i32
    %dma_wait3A_367 = tpu.memref_slice %arg4[%dma_wait3A_361, %dma_wait3A_365, %dma_wait3A_366] : memref<3x4096x512xf32, #tpu.memory_space<vmem>> -> memref<1x4096x512xf32, #tpu.memory_space<vmem>>
    %dma_wait3A_368 = tpu.memref_squeeze %dma_wait3A_367 : memref<1x4096x512xf32, #tpu.memory_space<vmem>> -> memref<4096x512xf32, #tpu.memory_space<vmem>>
    %dma_wait3A_369 = arith.constant 28672 : i32
    %dma_wait3A_370 = arith.constant 0 : i32
    %dma_wait3A_371 = tpu.memref_slice %arg0[%dma_wait3A_369, %dma_wait3A_370] : memref<32768x512xf32, #tpu.memory_space<any>> -> memref<4096x512xf32, #tpu.memory_space<any>>
    tpu.wait_dma2 semaphore(%dma_wait3A_364 : memref<!tpu.dma_semaphore, #tpu.memory_space<semaphore_mem>>) src(%dma_wait3A_371 : memref<4096x512xf32, #tpu.memory_space<any>>) dst(%dma_wait3A_368 : memref<4096x512xf32, #tpu.memory_space<vmem>>)
    %dma_wait3A_372 = arith.constant 0 : i32
    %dma_wait3A_373 = arith.constant 0 : i32
    %dma_wait3A_374 = tpu.memref_slice %arg7[%dma_wait3A_373] : memref<2x!tpu.dma_semaphore, #tpu.memory_space<semaphore_mem>> -> memref<1x!tpu.dma_semaphore, #tpu.memory_space<semaphore_mem>>
    %dma_wait3A_375 = tpu.memref_squeeze %dma_wait3A_374 : memref<1x!tpu.dma_semaphore, #tpu.memory_space<semaphore_mem>> -> memref<!tpu.dma_semaphore, #tpu.memory_space<semaphore_mem>>
    %dma_wait3A_376 = arith.constant 20480 : i32
    %dma_wait3A_377 = arith.constant 0 : i32
    %dma_wait3A_378 = tpu.memref_slice %arg3[%dma_wait3A_376, %dma_wait3A_377] : memref<32768x512xf32, #tpu.memory_space<any>> -> memref<4096x512xf32, #tpu.memory_space<any>>
    %dma_wait3A_379 = arith.constant 0 : i32
    %dma_wait3A_380 = arith.constant 0 : i32
    %dma_wait3A_381 = tpu.memref_slice %arg5[%dma_wait3A_372, %dma_wait3A_379, %dma_wait3A_380] : memref<2x4096x512xf32, #tpu.memory_space<vmem>> -> memref<1x4096x512xf32, #tpu.memory_space<vmem>>
    %dma_wait3A_382 = tpu.memref_squeeze %dma_wait3A_381 : memref<1x4096x512xf32, #tpu.memory_space<vmem>> -> memref<4096x512xf32, #tpu.memory_space<vmem>>
    tpu.wait_dma2 semaphore(%dma_wait3A_375 : memref<!tpu.dma_semaphore, #tpu.memory_space<semaphore_mem>>) src(%dma_wait3A_382 : memref<4096x512xf32, #tpu.memory_space<vmem>>) dst(%dma_wait3A_378 : memref<4096x512xf32, #tpu.memory_space<any>>)
    %get3A_383 = arith.constant 0 : index
    %get3A_384 = arith.constant 0 : index
    %get3A_385 = arith.constant 0 : index
    %get3A_386 = vector.load %arg4[%get3A_383, %get3A_384, %get3A_385] : memref<3x4096x512xf32, #tpu.memory_space<vmem>>, vector<1x4096x512xf32>
    %get3A_387 = vector.shape_cast %get3A_386 : vector<1x4096x512xf32> to vector<4096x512xf32>
    %reshape3A_388 = vector.shape_cast %get3A_387 : vector<4096x512xf32> to vector<32x128x512xf32>
    %get3A_389 = arith.constant 224 : index
    %get3A_390 = arith.constant 0 : index
    %get3A_391 = vector.load %arg1[%get3A_389, %get3A_390] : memref<256x128xf32, #tpu.memory_space<vmem>>, vector<32x128xf32>
    %reshape3A_392 = vector.shape_cast %get3A_391 : vector<32x128xf32> to vector<32x128x1xf32>
    %mul3A_393 = vector.broadcast %reshape3A_392 : vector<32x128x1xf32> to vector<32x128x512xf32>
    %mul3A_394 = arith.mulf %reshape3A_388, %mul3A_393 : vector<32x128x512xf32>
    %reshape3A_395 = vector.shape_cast %mul3A_394 : vector<32x128x512xf32> to vector<4096x512xf32>
    %swap3A_396 = arith.constant 0 : index
    %swap3A_397 = arith.constant 0 : index
    %swap3A_398 = arith.constant 0 : index
    %swap3A_399 = vector.load %arg5[%swap3A_396, %swap3A_397, %swap3A_398] : memref<2x4096x512xf32, #tpu.memory_space<vmem>>, vector<1x4096x512xf32>
    %swap3A_400 = vector.shape_cast %swap3A_399 : vector<1x4096x512xf32> to vector<4096x512xf32>
    %swap3A_401 = vector.shape_cast %reshape3A_395 : vector<4096x512xf32> to vector<1x4096x512xf32>
    tpu.vector_store %arg5[%swap3A_396, %swap3A_397, %swap3A_398], %swap3A_401 {strides = array<i32>} : memref<2x4096x512xf32, #tpu.memory_space<vmem>>, vector<1x4096x512xf32>,
    %dma_start3A_402 = arith.constant 0 : i32
    %dma_start3A_403 = arith.constant 0 : i32
    %dma_start3A_404 = tpu.memref_slice %arg7[%dma_start3A_403] : memref<2x!tpu.dma_semaphore, #tpu.memory_space<semaphore_mem>> -> memref<1x!tpu.dma_semaphore, #tpu.memory_space<semaphore_mem>>
    %dma_start3A_405 = tpu.memref_squeeze %dma_start3A_404 : memref<1x!tpu.dma_semaphore, #tpu.memory_space<semaphore_mem>> -> memref<!tpu.dma_semaphore, #tpu.memory_space<semaphore_mem>>
    %dma_start3A_406 = arith.constant 28672 : i32
    %dma_start3A_407 = arith.constant 0 : i32
    %dma_start3A_408 = tpu.memref_slice %arg3[%dma_start3A_406, %dma_start3A_407] : memref<32768x512xf32, #tpu.memory_space<any>> -> memref<4096x512xf32, #tpu.memory_space<any>>
    %dma_start3A_409 = arith.constant 0 : i32
    %dma_start3A_410 = arith.constant 0 : i32
    %dma_start3A_411 = tpu.memref_slice %arg5[%dma_start3A_402, %dma_start3A_409, %dma_start3A_410] : memref<2x4096x512xf32, #tpu.memory_space<vmem>> -> memref<1x4096x512xf32, #tpu.memory_space<vmem>>
    %dma_start3A_412 = tpu.memref_squeeze %dma_start3A_411 : memref<1x4096x512xf32, #tpu.memory_space<vmem>> -> memref<4096x512xf32, #tpu.memory_space<vmem>>
    tpu.enqueue_dma source(%dma_start3A_412 : memref<4096x512xf32, #tpu.memory_space<vmem>>) target(%dma_start3A_408 : memref<4096x512xf32, #tpu.memory_space<any>>) target_semaphore(%dma_start3A_405 : memref<!tpu.dma_semaphore, #tpu.memory_space<semaphore_mem>>)
    %dma_wait3A_413 = arith.constant 1 : i32
    %dma_wait3A_414 = arith.constant 1 : i32
    %dma_wait3A_415 = tpu.memref_slice %arg7[%dma_wait3A_414] : memref<2x!tpu.dma_semaphore, #tpu.memory_space<semaphore_mem>> -> memref<1x!tpu.dma_semaphore, #tpu.memory_space<semaphore_mem>>
    %dma_wait3A_416 = tpu.memref_squeeze %dma_wait3A_415 : memref<1x!tpu.dma_semaphore, #tpu.memory_space<semaphore_mem>> -> memref<!tpu.dma_semaphore, #tpu.memory_space<semaphore_mem>>
    %dma_wait3A_417 = arith.constant 24576 : i32
    %dma_wait3A_418 = arith.constant 0 : i32
    %dma_wait3A_419 = tpu.memref_slice %arg3[%dma_wait3A_417, %dma_wait3A_418] : memref<32768x512xf32, #tpu.memory_space<any>> -> memref<4096x512xf32, #tpu.memory_space<any>>
    %dma_wait3A_420 = arith.constant 0 : i32
    %dma_wait3A_421 = arith.constant 0 : i32
    %dma_wait3A_422 = tpu.memref_slice %arg5[%dma_wait3A_413, %dma_wait3A_420, %dma_wait3A_421] : memref<2x4096x512xf32, #tpu.memory_space<vmem>> -> memref<1x4096x512xf32, #tpu.memory_space<vmem>>
    %dma_wait3A_423 = tpu.memref_squeeze %dma_wait3A_422 : memref<1x4096x512xf32, #tpu.memory_space<vmem>> -> memref<4096x512xf32, #tpu.memory_space<vmem>>
    tpu.wait_dma2 semaphore(%dma_wait3A_416 : memref<!tpu.dma_semaphore, #tpu.memory_space<semaphore_mem>>) src(%dma_wait3A_423 : memref<4096x512xf32, #tpu.memory_space<vmem>>) dst(%dma_wait3A_419 : memref<4096x512xf32, #tpu.memory_space<any>>)
    %dma_wait3A_424 = arith.constant 0 : i32
    %dma_wait3A_425 = arith.constant 0 : i32
    %dma_wait3A_426 = tpu.memref_slice %arg7[%dma_wait3A_425] : memref<2x!tpu.dma_semaphore, #tpu.memory_space<semaphore_mem>> -> memref<1x!tpu.dma_semaphore, #tpu.memory_space<semaphore_mem>>
    %dma_wait3A_427 = tpu.memref_squeeze %dma_wait3A_426 : memref<1x!tpu.dma_semaphore, #tpu.memory_space<semaphore_mem>> -> memref<!tpu.dma_semaphore, #tpu.memory_space<semaphore_mem>>
    %dma_wait3A_428 = arith.constant 28672 : i32
    %dma_wait3A_429 = arith.constant 0 : i32
    %dma_wait3A_430 = tpu.memref_slice %arg3[%dma_wait3A_428, %dma_wait3A_429] : memref<32768x512xf32, #tpu.memory_space<any>> -> memref<4096x512xf32, #tpu.memory_space<any>>
    %dma_wait3A_431 = arith.constant 0 : i32
    %dma_wait3A_432 = arith.constant 0 : i32
    %dma_wait3A_433 = tpu.memref_slice %arg5[%dma_wait3A_424, %dma_wait3A_431, %dma_wait3A_432] : memref<2x4096x512xf32, #tpu.memory_space<vmem>> -> memref<1x4096x512xf32, #tpu.memory_space<vmem>>
    %dma_wait3A_434 = tpu.memref_squeeze %dma_wait3A_433 : memref<1x4096x512xf32, #tpu.memory_space<vmem>> -> memref<4096x512xf32, #tpu.memory_space<vmem>>
    tpu.wait_dma2 semaphore(%dma_wait3A_427 : memref<!tpu.dma_semaphore, #tpu.memory_space<semaphore_mem>>) src(%dma_wait3A_434 : memref<4096x512xf32, #tpu.memory_space<vmem>>) dst(%dma_wait3A_430 : memref<4096x512xf32, #tpu.memory_space<any>>)
    return
  }
}

</mosaic_0001>

<sc_bundles>
// kernel: kernel.4.cloned.1.call-start
scs
__scs_entry_jumppad:
0x0: {  	(pc) =	sbr.rel $0x88, $3  }
0x1: {  	(tag) =	ssettag $0x0;
	lr =	simm.s32 $0x1  }
0x2: {  	[smem:$0x3FA0] =	sst lr;
	_ =	strace $0xD0000000  }
0x3: {  	_ = 	snop  }
0x4: {  	_ = 	snop  }
0x5: {  	_ = 	snop  }
0x6: {  	_ = 	snop  }
0x7: {  	_ = 	snop  }
__scs_overlays_trampoline_lowered:
0x8: {  	[smem:$0x3FAF] =	sst s0  }
0x9: {  	[smem:$0x3FB0] =	sst s1  }
0xa: {  	[smem:$0x3FB1] =	sst s2  }
0xb: {  	[smem:$0x3FB2] =	sst s3  }
0xc: {  	[smem:$0x3FB3] =	sst s4  }
0xd: {  	[smem:$0x3FB4] =	sst s5  }
0xe: {  	[smem:$0x3FB5] =	sst s6  }
0xf: {  	[smem:$0x3FB6] =	sst s7  }
0x10: {  	[smem:$0x3FB7] =	sst s8  }
0x11: {  	[smem:$0x3FB8] =	sst s9;
	s0 =	simm.s32 @!p0 $0x0  }
0x12: {  	s1 =	sld [smem:$0x3F9E];
	s0 =	simm.s32 @p0 $0x1  }
0x13: {  	[smem:$0x3FB9] =	sst s0;
	s0 =	simm.s32 @!p1 $0x0  }
0x14: {  	s2 =	sld [smem:$0x3F9D];
	s0 =	simm.s32 @p1 $0x1  }
0x15: {  	[smem:$0x3FBA] =	sst s0;
	s0 =	simm.s32 @!p2 $0x0  }
0x16: {  	s3 =	sld [smem:$0x3FDB];
	s0 =	simm.s32 @p2 $0x1  }
0x17: {  	s4 =	simm.s32 $0x1BF5;
	[smem:$0x3FBC] =	sst s0  }
0x18: {  	s0 =	sld [smem:$0x3F9F];
	_ =	swait.ge [sflag:s4], $0x0  }
0x19: {  	s7 =	sld [smem:$0x3FA0]  }
0x1a: {  	s8 =	sadd.s32 $0xFFFFE003, lr  }
0x1b: {  	s9 =	sadd.s32 $0xFFFFFEF7, lr;
	s5 =	simm.s32 $0xFFFFFFFF;
	p2 =	slt.u32 s8, $0xFFFFF086  }
0x1c: {  	p1 =	slt.u32 s9, $0xF7A;
	s5 =	simm.s32 @!p2 $0x0  }
0x1d: {  	s5 =	simm.s32 @p1 $0x1;
	p0 =	seq.s32 s7, s2  }
0x1e: {  	s7 =	smul.u32 @!p0 $0xF7A, s2;
	p2 =	seq.s32 @!p0 s5, $0x0  }
0x1f: {  	s9 =	smul.u32 $0xF7A, s1;
	s8 =	simm.s32 @!p0 $0x1BF5;
	p2 =	por !p2, p0  }
0x20: {  	[sflag:s8] =	ssyncset.s32 @!p0 $0xFFFFF086;
	s6 =	sadd.s32 @!p0 s3, s7;
	s7 =	simm.s32 @!p0 $0x108  }
0x21: {  	s3 =	sadd.s32 s3, s9;
	s6 =	sadd.s32 @!p0 $0x88, s6;
	s7 =	simm.s32 @p2 $0x1082  }
0x22: {  	[simem:s7], [sflag:s8] =	dma.local @!p0 [hbm:s6], $0xF7A  }
0x23: {  	s9 =	sor.u32 $0xD0000000, s2;
	s6 =	simm.s32 $0x108;
	_ =	swait.ge @!p0 [sflag:s8], $0x0  }
0x24: {  	s3 =	sadd.s32 $0x88, s3;
	s6 =	simm.s32 @!p1 $0x1082;
	[sflag:s4] =	ssyncset.s32 $0xFFFFF086  }
0x25: {  	[simem:s6], [sflag:s4] =	dma.local [hbm:s3], $0xF7A  }
0x26: {  	[smem:$0x3FA0] =	sst s1;
	(tag) =	ssettag s2;
	_ =	strace s9  }
0x27: {  	s1 =	sld [smem:$0x3FB0]  }
0x28: {  	s2 =	sld [smem:$0x3FB1]  }
0x29: {  	s4 =	sld [smem:$0x3FB3]  }
0x2a: {  	p0 =	seq.s32 s5, $0x0;
	s5 =	sld [smem:$0x3FB4]  }
0x2b: {  	s6 =	sld [smem:$0x3FB5]  }
0x2c: {  	s7 =	sld [smem:$0x3FB6]  }
0x2d: {  	s3 =	simm.s32 $0x108;
	s8 =	sld [smem:$0x3FB7]  }
0x2e: {  	s3 =	simm.s32 @!p0 $0x1082;
	s9 =	sld [smem:$0x3FB8]  }
0x2f: {  	lr =	sadd.s32 s0, s3;
	s0 =	sld [smem:$0x3FAF]  }
0x30: {  	s3 =	sld [smem:$0x3FB2]  }
0x31: {  	[smem:$0x3FBB] =	sst s10  }
0x32: {  	s10 =	sld [smem:$0x3FB9];
	_ =	sdelay $0x3  }
0x33: {  	p0 =	seq.s32 s10, $0x1;
	s10 =	sld [smem:$0x3FBB];
	_ =	sdelay $0x3  }
0x34: {  	[smem:$0x3FBB] =	sst s10  }
0x35: {  	s10 =	sld [smem:$0x3FBA];
	_ =	sdelay $0x3  }
0x36: {  	p1 =	seq.s32 s10, $0x1;
	s10 =	sld [smem:$0x3FBB];
	_ =	sdelay $0x3  }
0x37: {  	[smem:$0x3FBB] =	sst s10  }
0x38: {  	s10 =	sld [smem:$0x3FBC]  }
0x39: {  	_ = 	snop;
	(pc) =	sbr.ind lr, $3  }
0x3a: {  	_ = 	snop  }
0x3b: {  	_ = 	snop  }
0x3c: {  	p2 =	seq.s32 s10, $0x1;
	s10 =	sld [smem:$0x3FBB]  }
0x3d: {  	_ =	shalt  }
0x3e: {  	_ =	shalt  }
0x3f: {  	_ =	shalt  }
0x40: {  	_ =	shalt  }
0x41: {  	_ =	shalt  }
0x42: {  	_ =	shalt  }
0x43: {  	_ =	shalt  }
0x44: {  	_ =	shalt  }
0x45: {  	_ =	shalt  }
0x46: {  	_ =	shalt  }
0x47: {  	_ =	shalt  }
0x48: {  	_ =	shalt  }
0x49: {  	_ =	shalt  }
0x4a: {  	_ =	shalt  }
0x4b: {  	_ =	shalt  }
0x4c: {  	_ =	shalt  }
0x4d: {  	_ =	shalt  }
0x4e: {  	_ =	shalt  }
0x4f: {  	_ =	shalt  }
0x50: {  	_ =	shalt  }
0x51: {  	_ =	shalt  }
0x52: {  	_ =	shalt  }
0x53: {  	_ =	shalt  }
0x54: {  	_ =	shalt  }
0x55: {  	_ =	shalt  }
0x56: {  	_ =	shalt  }
0x57: {  	_ =	shalt  }
0x58: {  	_ =	shalt  }
0x59: {  	_ =	shalt  }
0x5a: {  	_ =	shalt  }
0x5b: {  	_ =	shalt  }
0x5c: {  	_ =	shalt  }
0x5d: {  	_ =	shalt  }
0x5e: {  	_ =	shalt  }
0x5f: {  	_ =	shalt  }
0x60: {  	_ =	shalt  }
0x61: {  	_ =	shalt  }
0x62: {  	_ =	shalt  }
0x63: {  	_ =	shalt  }
0x64: {  	_ =	shalt  }
0x65: {  	_ =	shalt  }
0x66: {  	_ =	shalt  }
0x67: {  	_ =	shalt  }
0x68: {  	_ =	shalt  }
0x69: {  	_ =	shalt  }
0x6a: {  	_ =	shalt  }
0x6b: {  	_ =	shalt  }
0x6c: {  	_ =	shalt  }
0x6d: {  	_ =	shalt  }
0x6e: {  	_ =	shalt  }
0x6f: {  	_ =	shalt  }
0x70: {  	_ =	shalt  }
0x71: {  	_ =	shalt  }
0x72: {  	_ =	shalt  }
0x73: {  	_ =	shalt  }
0x74: {  	_ =	shalt  }
0x75: {  	_ =	shalt  }
0x76: {  	_ =	shalt  }
0x77: {  	_ =	shalt  }
0x78: {  	_ =	shalt  }
0x79: {  	_ =	shalt  }
0x7a: {  	_ =	shalt  }
0x7b: {  	_ =	shalt  }
0x7c: {  	_ =	shalt  }
0x7d: {  	_ =	shalt  }
0x7e: {  	_ =	shalt  }
0x7f: {  	_ =	shalt  }
0x80: {  	_ =	shalt  }
0x81: {  	_ =	shalt  }
0x82: {  	_ =	shalt  }
0x83: {  	_ =	shalt  }
0x84: {  	_ =	shalt  }
0x85: {  	_ =	shalt  }
0x86: {  	_ =	shalt  }
0x87: {  	_ =	shalt  }
.Lfunc_end0:
.L_simem_size_0:
called_computation_lowered:
.L_overlay_start_0:
0x88: {  	s2 =	sld [smem:$0x3FD9]  }
0x89: {  	s3 =	sld [smem:$0x3FFE];
	_ =	sdelay $0x1  }
0x8a: {  	s1 =	srdreg.scid  }
0x8b: {  	s0 =	sand.u32 $0x1, s1  }
0x8c: {  	s17 =	sshll.u32 s0, $0xA;
	s2 =	sadd.s32 s3, s2  }
0x8d: {  	s2 =	sadd.s32 s2, s17  }
0x8e: {  	[smem:$0x3FC7] =	sst s2  }
0x8f: {  	_ = 	snop  }
0x90: {  	s2 =	sld [smem:$0x3FC9]  }
0x91: {  	s18 =	sld [smem:$0x3FD0];
	(tm) =	ssettm $0x1  }
0x92: {  	s4 =	sld [smem:$0x3FFB];
	_ =	sdelay $0x3  }
0x93: {  	_ =	strace s4  }
0x94: {  	s4 =	sld [smem:$0x3FFC];
	_ =	sdelay $0x3  }
0x95: {  	_ =	strace s4  }
0x96: {  	s4 =	sld [smem:$0x3FFD];
	_ =	sdelay $0x3  }
0x97: {  	_ =	strace s4  }
0x98: {  	_ =	strace $0x8FFFFFFF  }
0x99: {  	s19 =	sld [smem:$0x3FDB];
	_ =	sdelay $0x1  }
0x9a: {  	s5 =	simm.s32 $_scs_section_size  }
0x9b: {  	s6 =	simm.s32 $_size__tile_overlayer_lowered;
	s7 =	simm.s32 $_tile_overlayer_lowered  }
0x9c: {  	s22 =	simm.s32 $0x1BFF;
	s21 =	sshll.u32 s7, $0x1;
	s4 =	sadd.s32 s5, s19  }
0x9d: {  	s8 =	simm.s32 $0x0;
	s20 =	sshll.u32 s6, $0x1;
	s6 =	sadd.s32 s21, s4  }
0x9e: {  	[timem:s8], [sflag:s22] =	dma.local [hbm:s6], s20  }
0x9f: {  	_ =	swait.ge [sflag:s22], s20  }
0xa0: {  	s5 =	ssub.s32 $0x0, s20;
	[sflag:s22] =	ssyncset.done $0x0  }
0xa1: {  	[sflag:s22] =	ssyncadd.s32 s5;
	_ =	sdelay $0x1  }
0xa2: {  	s23 =	simm.s32 $0x1B8B  }
0xa3: {  	_ =	swait.ge [sflag:s23], $0x1  }
0xa4: {  	[sflag:s23] =	ssyncset.done $0x0  }
0xa5: {  	s25 =	simm.s32 $0x1B8E;
	s24 =	sld [smem:$0x3FFE];
	[sflag:s23] =	ssyncadd.s32 $0xFFFFFFFF  }
0xa6: {  	s26 =	simm.s32 $execute0_lowered;
	[smem:$0x3FD2] =	sst s25  }
0xa7: {  	s6 =	sshll.u32 s26, $0x1;
	_ =	strace $0x80000046;
	[dreg:$0x1] =	wrdreg $0xFFFFFFFF  }
0xa8: {  	s28 =	simm.s32 $_size_execute0_lowered;
	s4 =	sadd.s32 s4, s6;
	[dreg:$0x0] =	wrdreg $0x0  }
0xa9: {  	s6 =	sshll.u32 s28, $0x1;
	[dreg:$0x2] =	wrdreg s4  }
0xaa: {  	[dreg:$0x3] =	wrdreg s6  }
0xab: {  	[dreg:$0x4] =	wrdreg $0xC0  }
0xac: {  	_ =	task [dreg:s8], $0x5FFFF  }
0xad: {  	[dreg:$0x1] =	wrdreg $0xFFFFFFFF  }
0xae: {  	[dreg:$0x0] =	wrdreg $0x60  }
0xaf: {  	[dreg:$0x2] =	wrdreg s2  }
0xb0: {  	[dreg:$0x3] =	wrdreg s24  }
0xb1: {  	[dreg:$0x4] =	wrdreg s18  }
0xb2: {  	[dreg:$0x5] =	wrdreg $0x9  }
0xb3: {  	_ =	task.clear_ibuf [dreg:s8], $0x6FFFF;
	_ =	strace $0x90000046  }
0xb4: {  	s29 =	simm.s32 $0x9;
	_ =	strace $0x80000048  }
0xb5: {  	_ =	swait.ge [sflag:s29], $0x1  }
0xb6: {  	[sflag:s29] =	ssyncadd.s32 $0xFFFFFFFF  }
0xb7: {  	_ =	strace $0x90000048  }
0xb8: {  	_ =	sfence  }
0xb9: {  	s30 =	sld [smem:$0x0];
	_ =	sdelay $0x2  }
0xba: {  	s31 =	sshll.u32 s1, $0xD;
	s1 =	sshrl.u32 s1, $0x2  }
0xbb: {  	s3 =	sand.u32 $0x4000, s31;
	s1 =	sadd.s32 s1, s30  }
0xbc: {  	s0 =	sor.u32 s3, s0;
	s1 =	sshll.u32 s1, $0x11  }
0xbd: {  	s0 =	sor.u32 s1, s0  }
0xbe: {  	s0 =	sadd.s32 $0x8F2B, s0  }
0xbf: {  	[sflag:s0] =	ssyncadd.remote.s32 $0x1  }
0xc0: {  	_ =	sfence.sel $0xFFFF  }
0xc1: {  	[dreg:$0x0] =	wrdreg $0xFFFFFFFF;
	(pc) =	sbr.abs _section_cstart, $3  }
0xc2: {  	[dreg:$0x1] =	wrdreg $0xFFFFFFFF  }
0xc3: {  	_ =	task.clear_ibuf [dreg:s8], $0x2FFFF;
	_ =	strace $0x9FFFFFFF  }
0xc4: {  	(tm) =	ssettm $0x7FFFFFFF  }
0xc5: {  	_ =	shalt  }
tec
execute0_lowered:
.L_overlay_start_1:
0x0: {  	(tag) =	ssettag $0x1  }
0x1: {  	s7 =	rddreg [dreg:$0x0]  }
0x2: {  	s4 =	rddreg [dreg:$0x1];
	s1 =	srdreg.scid  }
0x3: {  	s0 =	stileid.u32;
	s2 =	rddreg [dreg:$0x2];
	s3 =	simm.s32 $0x0  }
0x4: {  	s12 =	simm.s32 $0x6;
	s13 =	simm.s32 $0x100;
	s14 =	simm.s32 $0x2100  }
0x5: {  	s15 =	simm.s32 $0xA100;
	s16 =	simm.s32 $0x1;
	s17 =	simm.s32 $0x2  }
0x6: {  	s18 =	simm.s32 $0x3;
	s19 =	simm.s32 $0x4;
	s20 =	simm.s32 $0x900  }
0x7: {  	s21 =	simm.s32 $0x1100;
	s22 =	simm.s32 $0x1900;
	s23 =	simm.s32 $0x5  }
0x8: {  	s5 =	sand.u32 $0x1, s1;
	s6 =	sshll.u32 s0, $0x1;
	s1 =	rddreg [dreg:$0x3]  }
0x9: {  	[smem:$0x7FF] =	sst s3;
	s6 =	sor.u32 s5, s6;
	s5 =	ssub.s32 $0x2, s5  }
0xa: {  	_ =	strace $0x80000047;
	s8 =	sshll.u32 s6, $0x5;
	s9 =	sshrl.u32 s5, $0x1  }
0xb: {  	s10 =	sshll.u32 s6, $0xD;
	s8 =	sadd.s32 s8, s4;
	s4 =	sadd.s32 $0x800, s4  }
0xc: {  	v2 =	vlaneseq.u32;
	s11 =	ssub.s32 s5, s9;
	s31 =	sor.u32 $0x1000, s10;
	s6 =	sadd.s32 s7, s10  }
0xd: {  	vm0 =	vmmov $0xffff;
	v1 =	vshrl.u32 v2, $0x3;
	s5 =	sadd.s32 $0x400, s8;
	s7 =	sadd.s32 s7, s31;
	s8 =	sadd.s32 s2, s10  }
0xe: {  	v0 =	vand.u32 $0x7, v2;
	v2 =	vor.u32 $0x8, v2;
	v1 =	vmul.u32 $0x8, v1;
	s9 =	sadd.s32 s2, s31;
	s10 =	sadd.s32 $0x100, s2;
	s11 =	smax.u32 s11, $0x1  }
.LBB2_1:
0xf: {  	[tilespmem:s3], [sflag:$0x6] =	stream.linear.gather [hbm4b:s5+s3], $0x100, $0x38;
	[tilespmem:$0x12100] =	vst v63  }
0x10: {  	_ =	swait.ge [sflag:s12], $0x100  }
0x11: {  	[sflag:s12] =	ssyncset.done $0x0  }
0x12: {  	[sflag:s12] =	ssyncadd.s32 $0xFFFFFF00  }
0x13: {  	[tilespmem:s13], [sflag:$0x6] =	stream.linear.gather [hbm4b:s4+s3], $0x2000, $0x38;
	[tilespmem:$0x12100] =	vst v63  }
0x14: {  	_ =	swait.ge [sflag:s12], $0x2000  }
0x15: {  	[sflag:s12] =	ssyncset.done $0x0  }
0x16: {  	[sflag:s12] =	ssyncadd.s32 $0xFFFFE000  }
0x17: {  	[tilespmem:s14], [sflag:$0x1] =	stream.linear.gather [hbm4b:s6+s3], $0x8000, $0x38;
	[tilespmem:$0x12100] =	vst v63  }
0x18: {  	_ = 	snop  }
0x19: {  	[tilespmem:s15], [sflag:$0x2] =	stream.linear.gather [hbm4b:s7+s3], $0x8000, $0x38;
	[tilespmem:$0x12100] =	vst v63  }
0x1a: {  	_ =	swait.ge [sflag:s16], $0x8000  }
0x1b: {  	[sflag:s16] =	ssyncset.done $0x0  }
0x1c: {  	[sflag:s16] =	ssyncadd.s32 $0xFFFF8000  }
0x1d: {  	[hbm4b:s8+s3] =	stream.linear.scatter [tilespmem:s14], [sflag:$0x3], $0x8000, $0x38;
	[tilespmem:$0x12100] =	vst v63  }
0x1e: {  	_ =	swait.ge [sflag:s17], $0x8000  }
0x1f: {  	[sflag:s17] =	ssyncset.done $0x0  }
0x20: {  	[sflag:s17] =	ssyncadd.s32 $0xFFFF8000  }
0x21: {  	[hbm4b:s9+s3] =	stream.linear.scatter [tilespmem:s15], [sflag:$0x4], $0x8000, $0x38;
	[tilespmem:$0x12100] =	vst v63  }
0x22: {  	_ =	swait.ge [sflag:s18], $0x8000  }
0x23: {  	[sflag:s18] =	ssyncset.done $0x0  }
0x24: {  	[sflag:s18] =	ssyncadd.s32 $0xFFFF8000  }
0x25: {  	_ =	swait.ge [sflag:s19], $0x8000  }
0x26: {  	[sflag:s19] =	ssyncset.done $0x0  }
0x27: {  	[sflag:s19] =	ssyncadd.s32 $0xFFFF8000  }
0x28: {  	v3 =	vld [tilespmem:$0x0];
	_ =	sdelay $0x4  }
0x29: {  	v4 =	vshll.u32 v3, $0x2  }
0x2a: {  	v3 =	vand.u32 $0x7, v3;
	v4 =	vand.u32 $0xFFFFFFE0, v4  }
0x2b: {  	v3 =	vor.u32 v3, v4  }
0x2c: {  	v4 =	vperm.xlane v3, v0;
	_ =	sdelay $0x1  }
0x2d: {  	v4 =	vadd.s32 v1, v4;
	_ =	sdelay $0x1  }
0x2e: {  	v3 =	vperm.xlane v3, v2;
	_ =	sdelay $0x1  }
0x2f: {  	v3 =	vadd.s32 v1, v3  }
0x30: {  	[hbm4b:s2+s3] =	stream.indirect_vreg.scatter [tilespmem:s13], [sflag:$0x5], $0x80, v4, vm0, $0xb8;
	[tilespmem:$0x12100] =	vst v63  }
0x31: {  	_ = 	snop  }
0x32: {  	[hbm4b:s10+s3] =	stream.indirect_vreg.scatter [tilespmem:s20], [sflag:$0x5], $0x80, v4, vm0, $0xb8;
	[tilespmem:$0x12100] =	vst v63  }
0x33: {  	_ = 	snop  }
0x34: {  	[hbm4b:s2+s3] =	stream.indirect_vreg.scatter [tilespmem:s21], [sflag:$0x5], $0x80, v3, vm0, $0xb8;
	[tilespmem:$0x12100] =	vst v63  }
0x35: {  	_ = 	snop  }
0x36: {  	[hbm4b:s10+s3] =	stream.indirect_vreg.scatter [tilespmem:s22], [sflag:$0x5], $0x80, v3, vm0, $0xb8;
	[tilespmem:$0x12100] =	vst v63  }
0x37: {  	v3 =	vld [tilespmem:$0x80];
	_ =	sdelay $0x4  }
0x38: {  	v63 =	vshll.u32 v3, $0x2  }
0x39: {  	v3 =	vand.u32 $0x7, v3;
	v4 =	vand.u32 $0xFFFFFFE0, v63  }
0x3a: {  	v3 =	vor.u32 v3, v4  }
0x3b: {  	v4 =	vperm.xlane v3, v0;
	_ =	sdelay $0x1  }
0x3c: {  	v4 =	vadd.s32 v1, v4;
	_ =	sdelay $0x1  }
0x3d: {  	v3 =	vperm.xlane v3, v2;
	_ =	sdelay $0x1  }
0x3e: {  	v3 =	vadd.s32 v1, v3  }
0x3f: {  	[hbm4b:s2+s3] =	stream.indirect_vreg.scatter [tilespmem:s13], [sflag:$0x5], $0x80, v4, vm0, $0xb8;
	[tilespmem:$0x12100] =	vst v63  }
0x40: {  	_ = 	snop  }
0x41: {  	[hbm4b:s10+s3] =	stream.indirect_vreg.scatter [tilespmem:s20], [sflag:$0x5], $0x80, v4, vm0, $0xb8;
	[tilespmem:$0x12100] =	vst v63  }
0x42: {  	_ = 	snop  }
0x43: {  	[hbm4b:s2+s3] =	stream.indirect_vreg.scatter [tilespmem:s21], [sflag:$0x5], $0x80, v3, vm0, $0xb8;
	[tilespmem:$0x12100] =	vst v63  }
0x44: {  	_ = 	snop  }
0x45: {  	[hbm4b:s10+s3] =	stream.indirect_vreg.scatter [tilespmem:s22], [sflag:$0x5], $0x80, v3, vm0, $0xb8;
	[tilespmem:$0x12100] =	vst v63  }
0x46: {  	p0 =	sne.s32 s11, $0x1;
	_ =	swait.ge [sflag:s23], $0x2000  }
.Ltmp0:
0x47: {  	[sflag:s23] =	ssyncset.done $0x0;
	(pc) =	sbr.rel @p0 .LBB2_1-.Ltmp0, $4  }
0x48: {  	[sflag:s23] =	ssyncadd.s32 $0xFFFFE000  }
0x49: {  	_ =	swait.ge [sflag:s23], $0x2000  }
0x4a: {  	[sflag:s23] =	ssyncset.done $0x0  }
0x4b: {  	s11 =	sadd.s32 $0xFFFFFFFF, s11;
	[sflag:s23] =	ssyncadd.s32 $0xFFFFE000  }
0x4c: {  	_ =	sfence.sel $0x180000  }
0x4d: {  	[bflag:$0x0] =	sbarrier.arrive $0xFFFF  }
0x4e: {  	p0 =	sne.s32 s0, $0x0;
	_ =	strace $0x90000047  }
0x4f: {  	s0 =	sadd.s32 @!p0 $0x100000, s1;
	[bflag:$0x2] =	sbarrier.arrive $0xFFFF  }
0x50: {  	[sflag:s0] =	ssyncadd.tile.s32 @!p0 $0x1;
	_ =	shalt  }
.Lfunc_end2:
_tile_overlayer_lowered:
.L_overlay_start_2:
0x51: {  	(tag) =	ssettag $0x2  }
0x52: {  	s0 =	rddreg [dreg:$0x0];
	s2 =	stileid.u32  }
0x53: {  	s1 =	rddreg [dreg:$0x1];
	p0 =	sne.s32 s2, $0x0  }
0x54: {  	s3 =	rddreg [dreg:$0x2];
	[bflag:$0x3] =	sbarrier.arrive $0xFFFF;
	s2 =	simm.s32 @!p0 $0x1C06  }
0x55: {  	[timem:s3], [sflag:s2] =	dma.local @!p0 [hbm:s0], s1  }
0x56: {  	s0 =	simm.s32 @!p0 $0x6  }
0x57: {  	_ =	swait.ge @!p0 [sflag:s0], s1  }
0x58: {  	s1 =	ssub.s32 @!p0 $0x0, s1;
	[sflag:s0] =	ssyncset.done @!p0 $0x0  }
0x59: {  	[sflag:s0] =	ssyncadd.s32 @!p0 s1  }
0x5a: {  	[bflag:$0x3] =	sbarrier.arrive $0xFFFF  }
0x5b: {  	_ =	shalt  }

</sc_bundles>
